<compile_context>
chip_gen: v7x
topology: tpu7x:2x2x1
jax: 0.10.2.dev20260603
libtpu: 0.0.44.dev20260713+nightly
codegen_flags: <defaults>
</compile_context>

<pallas_src>
import functools

import jax
import jax.numpy as jnp
from jax import lax
from jax.experimental import pallas as pl
from jax.experimental.pallas import tpu as pltpu
from jax.experimental.pallas import tpu_sc as plsc

VOCAB = 1000000
D = 64
LMAX = 200
B = 4096
HID = 256
NFEAT = 8
LPAD = 256

CHUNKS = ((0, 128), (128, 72))


def _sc_pooled_sum():
    info = plsc.get_sparse_core_info()
    nc, ns = info.num_cores, info.num_subcores
    nw = nc * ns
    b_per_w = B // nw
    mesh = plsc.VectorSubcoreMesh(core_axis_name="c", subcore_axis_name="s")

    @functools.partial(
        pl.kernel,
        mesh=mesh,
        compiler_params=pltpu.CompilerParams(use_tc_tiling_on_sc=False),
        out_type=jax.ShapeDtypeStruct((B, D), jnp.float32),
        scratch_types=[
            pltpu.VMEM((2, LMAX), jnp.int32),
            pltpu.VMEM((2, LMAX, D), jnp.float32),
            pltpu.VMEM((2, 1, D), jnp.float32),
            pltpu.SemaphoreType.DMA,
            pltpu.SemaphoreType.DMA,
        ],
    )
    def k(ids_hbm, table_hbm, out_hbm, idx_v, rows_v, acc_v, sem0, sem1):
        wid = lax.axis_index("s") * nc + lax.axis_index("c")
        base = wid * b_per_w
        sems = (sem0, sem1)

        def fetch(b, s):
            pltpu.sync_copy(ids_hbm.at[b], idx_v.at[s])
            return [
                pltpu.async_copy(
                    table_hbm.at[idx_v.at[s, pl.ds(off, n)]],
                    rows_v.at[s, pl.ds(off, n)],
                    sems[s],
                )
                for off, n in CHUNKS
            ]

        def accum(b, s, copies):
            for c in copies:
                c.wait()
            zero = jnp.zeros((16,), jnp.float32)

            def add(l, accs):
                return tuple(
                    accs[j] + rows_v[s, l, pl.ds(j * 16, 16)]
                    for j in range(4)
                )

            accs = lax.fori_loop(0, LMAX, add, (zero,) * 4, unroll=4)
            for j in range(4):
                acc_v[s, 0, pl.ds(j * 16, 16)] = accs[j]
            pltpu.sync_copy(acc_v.at[s], out_hbm.at[pl.ds(b, 1)])

        def body(p, _):
            q = base + 2 * p
            c0 = fetch(q, 0)
            c1 = fetch(q + 1, 1)
            accum(q, 0, c0)
            accum(q + 1, 1, c1)
            return 0

        lax.fori_loop(0, b_per_w // 2, body, 0)

    return k


def _tc_head(ids_ref, pooled_ref, len_ref, tTL_ref, pos_ref, g_ref, b_ref,
             w1_ref, b1_ref, w2_ref, b2_ref, out_ref):
    f32 = jnp.float32
    m = (ids_ref[...] != 0).astype(f32)
    count = jnp.sum(m, axis=1, keepdims=True)
    pos_sum = jnp.dot(m, pos_ref[...], preferred_element_type=f32)
    denom = jnp.maximum(count, 1.0)
    seq = (pooled_ref[...] + pos_sum) / denom

    t = tTL_ref[0, 0]
    T = tTL_ref[0, 1]
    L = tTL_ref[0, 2]
    lens = len_ref[...].astype(f32)
    one = jnp.ones_like(lens)
    gap = lens - L
    rem = (T - t) * one
    prog = (t / jnp.maximum(T, 1.0)) * one
    need = gap / jnp.maximum(rem, 1.0)
    len_ratio = lens / jnp.maximum(L, 1.0)
    gap_ratio = gap / jnp.maximum(lens, 1.0)
    rem_ratio = ((T - t) / jnp.maximum(T, 1.0)) * one
    tgt_ratio = (L / jnp.maximum(T, 1.0)) * one
    feats = jnp.concatenate(
        [gap, rem, prog, need, len_ratio, gap_ratio, rem_ratio, tgt_ratio],
        axis=1)

    nf = D + NFEAT
    pad = jnp.zeros((seq.shape[0], 128 - nf), f32)
    fused = jnp.concatenate([seq, feats, pad], axis=1)
    mu = jnp.sum(fused, axis=1, keepdims=True) / nf
    var = jnp.sum(fused * fused, axis=1, keepdims=True) / nf - mu * mu
    ln = (fused - mu) * lax.rsqrt(var + 1e-5) * g_ref[...] + b_ref[...]

    h = jnp.dot(ln, w1_ref[...], preferred_element_type=f32) + b1_ref[...]
    h = 0.5 * h * (1.0 + lax.erf(h * 0.7071067811865476))
    logit = jnp.sum(h * w2_ref[...], axis=1, keepdims=True) + b2_ref[...]
    out_ref[...] = jax.nn.sigmoid(logit)


def kernel(token_ids, lengths, t, T, L, token_table, pos_table, ln_g, ln_b,
           W1, b1, W2, b2):
    f32 = jnp.float32
    ids = token_ids.astype(jnp.int32)

    pooled = _sc_pooled_sum()(ids, token_table)

    ids_pad = jnp.pad(ids, ((0, 0), (0, LPAD - LMAX)))
    pos_pad = jnp.pad(pos_table[:LMAX], ((0, LPAD - LMAX), (0, 0)))
    nf = D + NFEAT
    g_pad = jnp.pad(ln_g, (0, 128 - nf)).reshape(1, 128)
    b_pad = jnp.pad(ln_b, (0, 128 - nf)).reshape(1, 128)
    w1_pad = jnp.pad(W1, ((0, 128 - nf), (0, 0)))
    tTL = jnp.stack([jnp.asarray(t, f32), jnp.asarray(T, f32),
                     jnp.asarray(L, f32)]).reshape(1, 3)

    BLK = 512
    grid = (B // BLK,)
    rep = lambda i: (0, 0)
    out = pl.pallas_call(
        _tc_head,
        grid=grid,
        in_specs=[
            pl.BlockSpec((BLK, LPAD), lambda i: (i, 0)),
            pl.BlockSpec((BLK, D), lambda i: (i, 0)),
            pl.BlockSpec((BLK, 1), lambda i: (i, 0)),
            pl.BlockSpec(memory_space=pltpu.SMEM),
            pl.BlockSpec((LPAD, D), rep),
            pl.BlockSpec((1, 128), rep),
            pl.BlockSpec((1, 128), rep),
            pl.BlockSpec((128, HID), rep),
            pl.BlockSpec((1, HID), rep),
            pl.BlockSpec((1, HID), rep),
            pl.BlockSpec((1, 1), rep),
        ],
        out_specs=pl.BlockSpec((BLK, 1), lambda i: (i, 0)),
        out_shape=jax.ShapeDtypeStruct((B, 1), f32),
    )(ids_pad, pooled, lengths.astype(jnp.int32).reshape(B, 1), tTL, pos_pad,
      g_pad, b_pad, w1_pad, b1.reshape(1, HID), W2.reshape(1, HID),
      b2.reshape(1, 1))
    return out.reshape(B)

# --- scband reference (transcript-rebuilt; emitter-appended) ---
"""Pipeline reference for scband-neural-gate-model-72679436583106 (READ-ONLY COPY).

The authoritative reference and input builder live on the scoring server;
editing this copy changes nothing except your own understanding.
"""

import jax, jax.numpy as jnp
import numpy as np

VOCAB = 1000000
D = 64
LMAX = 200
B = 4096
MAXPOS = 4096
HID = 256
NFEAT = 8


def setup_inputs(seed: int = 0) -> dict:
    key = jax.random.key(seed)
    ks = jax.random.split(key, 8)
    token_ids = jax.random.randint(ks[0], (B, LMAX), 0, VOCAB)
    lengths = jax.random.randint(ks[1], (B,), 0, LMAX)
    token_table = jax.random.normal(ks[2], (VOCAB, D), dtype=jnp.float32)
    token_table = token_table.at[0].set(0.0)  # padding_idx=0
    pos_table = jax.random.normal(ks[3], (MAXPOS, D), dtype=jnp.float32)
    ln_g = jnp.ones((D + NFEAT,), dtype=jnp.float32)
    ln_b = jnp.zeros((D + NFEAT,), dtype=jnp.float32)
    W1 = jax.random.normal(ks[4], (D + NFEAT, HID), dtype=jnp.float32) * 0.05
    b1 = jnp.zeros((HID,), dtype=jnp.float32)
    W2 = jax.random.normal(ks[5], (HID, 1), dtype=jnp.float32) * 0.05
    b2 = jnp.zeros((1,), dtype=jnp.float32)
    return {"token_ids": token_ids, "lengths": lengths, "t": 10, "T": 100, "L": 150,
            "token_table": token_table, "pos_table": pos_table,
            "ln_g": ln_g, "ln_b": ln_b, "W1": W1, "b1": b1, "W2": W2, "b2": b2}


def reference(token_ids, lengths, t, T, L, token_table, pos_table, ln_g, ln_b, W1, b1, W2, b2):
    dtype = jnp.float32
    mask = (token_ids != 0)
    # token embedding lookup (SparseCore gather)
    x = jnp.take(token_table, token_ids, axis=0)  # (B, Lmax, D)
    pos_ids = jnp.arange(LMAX)
    x = x + jnp.take(pos_table, pos_ids, axis=0)[None, :, :]
    # masked mean pooling
    m = mask.astype(dtype)
    denom = jnp.clip(jnp.sum(m, axis=1, keepdims=True), 1.0, None)
    seq_repr = jnp.sum(x * m[:, :, None], axis=1) / denom  # (B, D)
    lengths_f = lengths.astype(dtype)
    t_f = jnp.full((B,), jnp.asarray(t, dtype=dtype), dtype=dtype)
    T_f = jnp.full((B,), jnp.asarray(T, dtype=dtype), dtype=dtype)
    L_f = jnp.full((B,), jnp.asarray(L, dtype=dtype), dtype=dtype)
    gap = lengths_f - L_f
    rem = T_f - t_f
    prog = t_f / jnp.clip(T_f, 1.0, None)
    need = gap / jnp.clip(rem, 1.0, None)
    len_ratio = lengths_f / jnp.clip(L_f, 1.0, None)
    gap_ratio = gap / jnp.clip(lengths_f, 1.0, None)
    rem_ratio = rem / jnp.clip(T_f, 1.0, None)
    tgt_ratio = L_f / jnp.clip(T_f, 1.0, None)
    feats = jnp.stack([gap, rem, prog, need, len_ratio, gap_ratio, rem_ratio, tgt_ratio], axis=1)
    fused = jnp.concatenate([seq_repr, feats], axis=1)  # (B, D+8)
    # LayerNorm (eps=1e-5, biased var)
    mu = jnp.mean(fused, axis=-1, keepdims=True)
    var = jnp.mean((fused - mu) ** 2, axis=-1, keepdims=True)
    fused = (fused - mu) / jnp.sqrt(var + 1e-5) * ln_g + ln_b
    # MLP head with exact GELU (torch nn.GELU default)
    h = jax.nn.gelu(fused @ W1 + b1, approximate=False)
    logit = (h @ W2 + b2)[:, 0]
    return jax.nn.sigmoid(logit)

if __name__ == "__main__":
    import jax
    _d = setup_inputs()
    print(jax.jit(kernel)(*tuple(_d.values())))

</pallas_src>

<mosaic_0001>
#map = affine_map<(d0, d1) -> (0, 0)>
module attributes {stable_mosaic.version = 14 : i64} {
  func.func @k(%arg0: i32, %arg1: i32, %arg2: memref<4096x200xi32, #tpu.memory_space<hbm>>, %arg3: memref<1000000x64xf32, #tpu.memory_space<hbm>>, %arg4: memref<4096x64xf32, #tpu.memory_space<hbm>>, %arg5: memref<2x200xi32, #tpu.memory_space<vmem>>, %arg6: memref<2x200x64xf32, #tpu.memory_space<vmem>>, %arg7: memref<2x1x64xf32, #tpu.memory_space<vmem>>, %arg8: memref<!tpu.dma_semaphore, #tpu.memory_space<semaphore_mem>>, %arg9: memref<!tpu.dma_semaphore, #tpu.memory_space<semaphore_mem>>) attributes {dimension_semantics = [#tpu.dimension_semantics<core_parallel>, #tpu.dimension_semantics<subcore_parallel>], iteration_bounds = array<i64: 2, 16>, scalar_prefetch = 0 : i64, scratch_operands = 5 : i64, tpu.core_type = #tpu.core_type<sc_vector_subcore>, window_params = [{transform_indices = #map}, {transform_indices = #map}, {transform_indices = #map}]} {
    %mul3A = arith.constant 2 : i32
    %mul3A_0 = arith.muli %arg1, %mul3A : i32
    %add3A = arith.addi %mul3A_0, %arg0 : i32
    %mul3A_1 = arith.constant 128 : i32
    %mul3A_2 = arith.muli %add3A, %mul3A_1 : i32
    %scan3A = arith.constant 0 : i32
    %scan3A_3 = arith.constant 0 : i32
    %scan3A_4 = arith.constant 64 : i32
    %scan3A_5 = arith.addi %scan3A_3, %scan3A_4 : i32
    %scan3A_6 = arith.constant 1 : i32
    %scan3A_7 = scf.for %scan3A_9 = %scan3A_3 to %scan3A_5 step %scan3A_6 iter_args(%scan3A_10 = %scan3A) -> (i32)  : i32 {
      %mul3A_11 = arith.constant 2 : i32
      %mul3A_12 = arith.muli %mul3A_11, %scan3A_9 : i32
      %add3A_13 = arith.addi %mul3A_2, %mul3A_12 : i32
      %run_scoped3A = arith.constant 0 : i32
      "tpu.region"() ({
        %run_scoped3A_194 = tpu.sem_alloc : memref<!tpu.dma_semaphore, #tpu.memory_space<semaphore_mem>>
        %dma_start3A_195 = arith.constant 0 : i32
        %dma_start3A_196 = tpu.memref_slice %arg5[%run_scoped3A, %dma_start3A_195] : memref<2x200xi32, #tpu.memory_space<vmem>> -> memref<1x200xi32, #tpu.memory_space<vmem>>
        %dma_start3A_197 = tpu.memref_squeeze %dma_start3A_196 : memref<1x200xi32, #tpu.memory_space<vmem>> -> memref<200xi32, #tpu.memory_space<vmem>>
        %dma_start3A_198 = arith.constant 0 : i32
        %dma_start3A_199 = tpu.memref_slice %arg2[%add3A_13, %dma_start3A_198] : memref<4096x200xi32, #tpu.memory_space<hbm>> -> memref<1x200xi32, #tpu.memory_space<hbm>>
        %dma_start3A_200 = tpu.memref_squeeze %dma_start3A_199 : memref<1x200xi32, #tpu.memory_space<hbm>> -> memref<200xi32, #tpu.memory_space<hbm>>
        %dma_start3A_201 = arith.constant 0 : i32
        %dma_start3A_202 = tpu.memref_slice %arg5[%run_scoped3A, %dma_start3A_201] : memref<2x200xi32, #tpu.memory_space<vmem>> -> memref<1x200xi32, #tpu.memory_space<vmem>>
        %dma_start3A_203 = tpu.memref_squeeze %dma_start3A_202 : memref<1x200xi32, #tpu.memory_space<vmem>> -> memref<200xi32, #tpu.memory_space<vmem>>
        %dma_start3A_204 = arith.constant 0 : i32
        %dma_start3A_205 = tpu.memref_slice %arg2[%add3A_13, %dma_start3A_204] : memref<4096x200xi32, #tpu.memory_space<hbm>> -> memref<1x200xi32, #tpu.memory_space<hbm>>
        %dma_start3A_206 = tpu.memref_squeeze %dma_start3A_205 : memref<1x200xi32, #tpu.memory_space<hbm>> -> memref<200xi32, #tpu.memory_space<hbm>>
        tpu.enqueue_dma source(%dma_start3A_206 : memref<200xi32, #tpu.memory_space<hbm>>) target(%dma_start3A_203 : memref<200xi32, #tpu.memory_space<vmem>>) target_semaphore(%run_scoped3A_194 : memref<!tpu.dma_semaphore, #tpu.memory_space<semaphore_mem>>)
        %dma_wait3A_207 = arith.constant 0 : i32
        %dma_wait3A_208 = tpu.memref_slice %arg5[%run_scoped3A, %dma_wait3A_207] : memref<2x200xi32, #tpu.memory_space<vmem>> -> memref<1x200xi32, #tpu.memory_space<vmem>>
        %dma_wait3A_209 = tpu.memref_squeeze %dma_wait3A_208 : memref<1x200xi32, #tpu.memory_space<vmem>> -> memref<200xi32, #tpu.memory_space<vmem>>
        %dma_wait3A_210 = arith.constant 0 : i32
        %dma_wait3A_211 = tpu.memref_slice %arg2[%add3A_13, %dma_wait3A_210] : memref<4096x200xi32, #tpu.memory_space<hbm>> -> memref<1x200xi32, #tpu.memory_space<hbm>>
        %dma_wait3A_212 = tpu.memref_squeeze %dma_wait3A_211 : memref<1x200xi32, #tpu.memory_space<hbm>> -> memref<200xi32, #tpu.memory_space<hbm>>
        %dma_wait3A_213 = arith.constant 0 : i32
        %dma_wait3A_214 = tpu.memref_slice %arg5[%run_scoped3A, %dma_wait3A_213] : memref<2x200xi32, #tpu.memory_space<vmem>> -> memref<1x200xi32, #tpu.memory_space<vmem>>
        %dma_wait3A_215 = tpu.memref_squeeze %dma_wait3A_214 : memref<1x200xi32, #tpu.memory_space<vmem>> -> memref<200xi32, #tpu.memory_space<vmem>>
        %dma_wait3A_216 = arith.constant 0 : i32
        %dma_wait3A_217 = tpu.memref_slice %arg2[%add3A_13, %dma_wait3A_216] : memref<4096x200xi32, #tpu.memory_space<hbm>> -> memref<1x200xi32, #tpu.memory_space<hbm>>
        %dma_wait3A_218 = tpu.memref_squeeze %dma_wait3A_217 : memref<1x200xi32, #tpu.memory_space<hbm>> -> memref<200xi32, #tpu.memory_space<hbm>>
        tpu.wait_dma2 semaphore(%run_scoped3A_194 : memref<!tpu.dma_semaphore, #tpu.memory_space<semaphore_mem>>) src(%dma_wait3A_218 : memref<200xi32, #tpu.memory_space<hbm>>) dst(%dma_wait3A_215 : memref<200xi32, #tpu.memory_space<vmem>>)
        tpu.yield
      }) : () -> ()
      %dma_start3A = arith.constant 0 : i32
      %dma_start3A_14 = arith.constant 0 : i32
      %dma_start3A_15 = arith.constant 0 : i32
      %dma_start3A_16 = arith.constant 0 : i32
      %dma_start3A_17 = tpu.memref_slice %arg6[%dma_start3A_14, %dma_start3A_15, %dma_start3A_16] : memref<2x200x64xf32, #tpu.memory_space<vmem>> -> memref<1x128x64xf32, #tpu.memory_space<vmem>>
      %dma_start3A_18 = tpu.memref_squeeze %dma_start3A_17 : memref<1x128x64xf32, #tpu.memory_space<vmem>> -> memref<128x64xf32, #tpu.memory_space<vmem>>
      %dma_start3A_19 = arith.constant 0 : i32
      %dma_start3A_20 = tpu.memref_slice %arg5[%dma_start3A, %dma_start3A_19] : memref<2x200xi32, #tpu.memory_space<vmem>> -> memref<1x128xi32, #tpu.memory_space<vmem>>
      %dma_start3A_21 = tpu.memref_squeeze %dma_start3A_20 : memref<1x128xi32, #tpu.memory_space<vmem>> -> memref<128xi32, #tpu.memory_space<vmem>>
      %dma_start3A_22 = arith.constant 0 : i32
      %dma_start3A_23 = arith.constant 0 : i32
      %dma_start3A_24 = tpu.memref_slice %arg3[%dma_start3A_22, %dma_start3A_23] : memref<1000000x64xf32, #tpu.memory_space<hbm>> -> memref<1000000x64xf32, #tpu.memory_space<hbm>>
      tpu.enqueue_indirect_dma source(%dma_start3A_24 : memref<1000000x64xf32, #tpu.memory_space<hbm>>) target(%dma_start3A_18 : memref<128x64xf32, #tpu.memory_space<vmem>>) offsets(%dma_start3A_21 : memref<128xi32, #tpu.memory_space<vmem>>) semaphore(%arg8 : memref<!tpu.dma_semaphore, #tpu.memory_space<semaphore_mem>>)
      %dma_start3A_25 = arith.constant 0 : i32
      %dma_start3A_26 = arith.constant 0 : i32
      %dma_start3A_27 = arith.constant 128 : i32
      %dma_start3A_28 = arith.constant 0 : i32
      %dma_start3A_29 = tpu.memref_slice %arg6[%dma_start3A_26, %dma_start3A_27, %dma_start3A_28] : memref<2x200x64xf32, #tpu.memory_space<vmem>> -> memref<1x72x64xf32, #tpu.memory_space<vmem>>
      %dma_start3A_30 = tpu.memref_squeeze %dma_start3A_29 : memref<1x72x64xf32, #tpu.memory_space<vmem>> -> memref<72x64xf32, #tpu.memory_space<vmem>>
      %dma_start3A_31 = arith.constant 128 : i32
      %dma_start3A_32 = tpu.memref_slice %arg5[%dma_start3A_25, %dma_start3A_31] : memref<2x200xi32, #tpu.memory_space<vmem>> -> memref<1x72xi32, #tpu.memory_space<vmem>>
      %dma_start3A_33 = tpu.memref_squeeze %dma_start3A_32 : memref<1x72xi32, #tpu.memory_space<vmem>> -> memref<72xi32, #tpu.memory_space<vmem>>
      %dma_start3A_34 = arith.constant 0 : i32
      %dma_start3A_35 = arith.constant 0 : i32
      %dma_start3A_36 = tpu.memref_slice %arg3[%dma_start3A_34, %dma_start3A_35] : memref<1000000x64xf32, #tpu.memory_space<hbm>> -> memref<1000000x64xf32, #tpu.memory_space<hbm>>
      tpu.enqueue_indirect_dma source(%dma_start3A_36 : memref<1000000x64xf32, #tpu.memory_space<hbm>>) target(%dma_start3A_30 : memref<72x64xf32, #tpu.memory_space<vmem>>) offsets(%dma_start3A_33 : memref<72xi32, #tpu.memory_space<vmem>>) semaphore(%arg8 : memref<!tpu.dma_semaphore, #tpu.memory_space<semaphore_mem>>)
      %add3A_37 = arith.constant 1 : i32
      %add3A_38 = arith.addi %add3A_13, %add3A_37 : i32
      %run_scoped3A_39 = arith.constant 1 : i32
      "tpu.region"() ({
        %run_scoped3A_194 = tpu.sem_alloc : memref<!tpu.dma_semaphore, #tpu.memory_space<semaphore_mem>>
        %dma_start3A_195 = arith.constant 0 : i32
        %dma_start3A_196 = tpu.memref_slice %arg5[%run_scoped3A_39, %dma_start3A_195] : memref<2x200xi32, #tpu.memory_space<vmem>> -> memref<1x200xi32, #tpu.memory_space<vmem>>
        %dma_start3A_197 = tpu.memref_squeeze %dma_start3A_196 : memref<1x200xi32, #tpu.memory_space<vmem>> -> memref<200xi32, #tpu.memory_space<vmem>>
        %dma_start3A_198 = arith.constant 0 : i32
        %dma_start3A_199 = tpu.memref_slice %arg2[%add3A_38, %dma_start3A_198] : memref<4096x200xi32, #tpu.memory_space<hbm>> -> memref<1x200xi32, #tpu.memory_space<hbm>>
        %dma_start3A_200 = tpu.memref_squeeze %dma_start3A_199 : memref<1x200xi32, #tpu.memory_space<hbm>> -> memref<200xi32, #tpu.memory_space<hbm>>
        %dma_start3A_201 = arith.constant 0 : i32
        %dma_start3A_202 = tpu.memref_slice %arg5[%run_scoped3A_39, %dma_start3A_201] : memref<2x200xi32, #tpu.memory_space<vmem>> -> memref<1x200xi32, #tpu.memory_space<vmem>>
        %dma_start3A_203 = tpu.memref_squeeze %dma_start3A_202 : memref<1x200xi32, #tpu.memory_space<vmem>> -> memref<200xi32, #tpu.memory_space<vmem>>
        %dma_start3A_204 = arith.constant 0 : i32
        %dma_start3A_205 = tpu.memref_slice %arg2[%add3A_38, %dma_start3A_204] : memref<4096x200xi32, #tpu.memory_space<hbm>> -> memref<1x200xi32, #tpu.memory_space<hbm>>
        %dma_start3A_206 = tpu.memref_squeeze %dma_start3A_205 : memref<1x200xi32, #tpu.memory_space<hbm>> -> memref<200xi32, #tpu.memory_space<hbm>>
        tpu.enqueue_dma source(%dma_start3A_206 : memref<200xi32, #tpu.memory_space<hbm>>) target(%dma_start3A_203 : memref<200xi32, #tpu.memory_space<vmem>>) target_semaphore(%run_scoped3A_194 : memref<!tpu.dma_semaphore, #tpu.memory_space<semaphore_mem>>)
        %dma_wait3A_207 = arith.constant 0 : i32
        %dma_wait3A_208 = tpu.memref_slice %arg5[%run_scoped3A_39, %dma_wait3A_207] : memref<2x200xi32, #tpu.memory_space<vmem>> -> memref<1x200xi32, #tpu.memory_space<vmem>>
        %dma_wait3A_209 = tpu.memref_squeeze %dma_wait3A_208 : memref<1x200xi32, #tpu.memory_space<vmem>> -> memref<200xi32, #tpu.memory_space<vmem>>
        %dma_wait3A_210 = arith.constant 0 : i32
        %dma_wait3A_211 = tpu.memref_slice %arg2[%add3A_38, %dma_wait3A_210] : memref<4096x200xi32, #tpu.memory_space<hbm>> -> memref<1x200xi32, #tpu.memory_space<hbm>>
        %dma_wait3A_212 = tpu.memref_squeeze %dma_wait3A_211 : memref<1x200xi32, #tpu.memory_space<hbm>> -> memref<200xi32, #tpu.memory_space<hbm>>
        %dma_wait3A_213 = arith.constant 0 : i32
        %dma_wait3A_214 = tpu.memref_slice %arg5[%run_scoped3A_39, %dma_wait3A_213] : memref<2x200xi32, #tpu.memory_space<vmem>> -> memref<1x200xi32, #tpu.memory_space<vmem>>
        %dma_wait3A_215 = tpu.memref_squeeze %dma_wait3A_214 : memref<1x200xi32, #tpu.memory_space<vmem>> -> memref<200xi32, #tpu.memory_space<vmem>>
        %dma_wait3A_216 = arith.constant 0 : i32
        %dma_wait3A_217 = tpu.memref_slice %arg2[%add3A_38, %dma_wait3A_216] : memref<4096x200xi32, #tpu.memory_space<hbm>> -> memref<1x200xi32, #tpu.memory_space<hbm>>
        %dma_wait3A_218 = tpu.memref_squeeze %dma_wait3A_217 : memref<1x200xi32, #tpu.memory_space<hbm>> -> memref<200xi32, #tpu.memory_space<hbm>>
        tpu.wait_dma2 semaphore(%run_scoped3A_194 : memref<!tpu.dma_semaphore, #tpu.memory_space<semaphore_mem>>) src(%dma_wait3A_218 : memref<200xi32, #tpu.memory_space<hbm>>) dst(%dma_wait3A_215 : memref<200xi32, #tpu.memory_space<vmem>>)
        tpu.yield
      }) : () -> ()
      %dma_start3A_40 = arith.constant 1 : i32
      %dma_start3A_41 = arith.constant 1 : i32
      %dma_start3A_42 = arith.constant 0 : i32
      %dma_start3A_43 = arith.constant 0 : i32
      %dma_start3A_44 = tpu.memref_slice %arg6[%dma_start3A_41, %dma_start3A_42, %dma_start3A_43] : memref<2x200x64xf32, #tpu.memory_space<vmem>> -> memref<1x128x64xf32, #tpu.memory_space<vmem>>
      %dma_start3A_45 = tpu.memref_squeeze %dma_start3A_44 : memref<1x128x64xf32, #tpu.memory_space<vmem>> -> memref<128x64xf32, #tpu.memory_space<vmem>>
      %dma_start3A_46 = arith.constant 0 : i32
      %dma_start3A_47 = tpu.memref_slice %arg5[%dma_start3A_40, %dma_start3A_46] : memref<2x200xi32, #tpu.memory_space<vmem>> -> memref<1x128xi32, #tpu.memory_space<vmem>>
      %dma_start3A_48 = tpu.memref_squeeze %dma_start3A_47 : memref<1x128xi32, #tpu.memory_space<vmem>> -> memref<128xi32, #tpu.memory_space<vmem>>
      %dma_start3A_49 = arith.constant 0 : i32
      %dma_start3A_50 = arith.constant 0 : i32
      %dma_start3A_51 = tpu.memref_slice %arg3[%dma_start3A_49, %dma_start3A_50] : memref<1000000x64xf32, #tpu.memory_space<hbm>> -> memref<1000000x64xf32, #tpu.memory_space<hbm>>
      tpu.enqueue_indirect_dma source(%dma_start3A_51 : memref<1000000x64xf32, #tpu.memory_space<hbm>>) target(%dma_start3A_45 : memref<128x64xf32, #tpu.memory_space<vmem>>) offsets(%dma_start3A_48 : memref<128xi32, #tpu.memory_space<vmem>>) semaphore(%arg9 : memref<!tpu.dma_semaphore, #tpu.memory_space<semaphore_mem>>)
      %dma_start3A_52 = arith.constant 1 : i32
      %dma_start3A_53 = arith.constant 1 : i32
      %dma_start3A_54 = arith.constant 128 : i32
      %dma_start3A_55 = arith.constant 0 : i32
      %dma_start3A_56 = tpu.memref_slice %arg6[%dma_start3A_53, %dma_start3A_54, %dma_start3A_55] : memref<2x200x64xf32, #tpu.memory_space<vmem>> -> memref<1x72x64xf32, #tpu.memory_space<vmem>>
      %dma_start3A_57 = tpu.memref_squeeze %dma_start3A_56 : memref<1x72x64xf32, #tpu.memory_space<vmem>> -> memref<72x64xf32, #tpu.memory_space<vmem>>
      %dma_start3A_58 = arith.constant 128 : i32
      %dma_start3A_59 = tpu.memref_slice %arg5[%dma_start3A_52, %dma_start3A_58] : memref<2x200xi32, #tpu.memory_space<vmem>> -> memref<1x72xi32, #tpu.memory_space<vmem>>
      %dma_start3A_60 = tpu.memref_squeeze %dma_start3A_59 : memref<1x72xi32, #tpu.memory_space<vmem>> -> memref<72xi32, #tpu.memory_space<vmem>>
      %dma_start3A_61 = arith.constant 0 : i32
      %dma_start3A_62 = arith.constant 0 : i32
      %dma_start3A_63 = tpu.memref_slice %arg3[%dma_start3A_61, %dma_start3A_62] : memref<1000000x64xf32, #tpu.memory_space<hbm>> -> memref<1000000x64xf32, #tpu.memory_space<hbm>>
      tpu.enqueue_indirect_dma source(%dma_start3A_63 : memref<1000000x64xf32, #tpu.memory_space<hbm>>) target(%dma_start3A_57 : memref<72x64xf32, #tpu.memory_space<vmem>>) offsets(%dma_start3A_60 : memref<72xi32, #tpu.memory_space<vmem>>) semaphore(%arg9 : memref<!tpu.dma_semaphore, #tpu.memory_space<semaphore_mem>>)
      %dma_wait3A = arith.constant 0 : i32
      %dma_wait3A_64 = arith.constant 0 : i32
      %dma_wait3A_65 = arith.constant 0 : i32
      %dma_wait3A_66 = arith.constant 0 : i32
      %dma_wait3A_67 = tpu.memref_slice %arg6[%dma_wait3A_64, %dma_wait3A_65, %dma_wait3A_66] : memref<2x200x64xf32, #tpu.memory_space<vmem>> -> memref<1x128x64xf32, #tpu.memory_space<vmem>>
      %dma_wait3A_68 = tpu.memref_squeeze %dma_wait3A_67 : memref<1x128x64xf32, #tpu.memory_space<vmem>> -> memref<128x64xf32, #tpu.memory_space<vmem>>
      %dma_wait3A_69 = arith.constant 0 : i32
      %dma_wait3A_70 = tpu.memref_slice %arg5[%dma_wait3A, %dma_wait3A_69] : memref<2x200xi32, #tpu.memory_space<vmem>> -> memref<1x128xi32, #tpu.memory_space<vmem>>
      %dma_wait3A_71 = tpu.memref_squeeze %dma_wait3A_70 : memref<1x128xi32, #tpu.memory_space<vmem>> -> memref<128xi32, #tpu.memory_space<vmem>>
      %dma_wait3A_72 = arith.constant 0 : i32
      %dma_wait3A_73 = arith.constant 0 : i32
      %dma_wait3A_74 = tpu.memref_slice %arg3[%dma_wait3A_72, %dma_wait3A_73] : memref<1000000x64xf32, #tpu.memory_space<hbm>> -> memref<1000000x64xf32, #tpu.memory_space<hbm>>
      tpu.wait_indirect_dma semaphore(%arg8 : memref<!tpu.dma_semaphore, #tpu.memory_space<semaphore_mem>>) src(%dma_wait3A_74 : memref<1000000x64xf32, #tpu.memory_space<hbm>>) dst(%dma_wait3A_68 : memref<128x64xf32, #tpu.memory_space<vmem>>)
      %dma_wait3A_75 = arith.constant 0 : i32
      %dma_wait3A_76 = arith.constant 0 : i32
      %dma_wait3A_77 = arith.constant 128 : i32
      %dma_wait3A_78 = arith.constant 0 : i32
      %dma_wait3A_79 = tpu.memref_slice %arg6[%dma_wait3A_76, %dma_wait3A_77, %dma_wait3A_78] : memref<2x200x64xf32, #tpu.memory_space<vmem>> -> memref<1x72x64xf32, #tpu.memory_space<vmem>>
      %dma_wait3A_80 = tpu.memref_squeeze %dma_wait3A_79 : memref<1x72x64xf32, #tpu.memory_space<vmem>> -> memref<72x64xf32, #tpu.memory_space<vmem>>
      %dma_wait3A_81 = arith.constant 128 : i32
      %dma_wait3A_82 = tpu.memref_slice %arg5[%dma_wait3A_75, %dma_wait3A_81] : memref<2x200xi32, #tpu.memory_space<vmem>> -> memref<1x72xi32, #tpu.memory_space<vmem>>
      %dma_wait3A_83 = tpu.memref_squeeze %dma_wait3A_82 : memref<1x72xi32, #tpu.memory_space<vmem>> -> memref<72xi32, #tpu.memory_space<vmem>>
      %dma_wait3A_84 = arith.constant 0 : i32
      %dma_wait3A_85 = arith.constant 0 : i32
      %dma_wait3A_86 = tpu.memref_slice %arg3[%dma_wait3A_84, %dma_wait3A_85] : memref<1000000x64xf32, #tpu.memory_space<hbm>> -> memref<1000000x64xf32, #tpu.memory_space<hbm>>
      tpu.wait_indirect_dma semaphore(%arg8 : memref<!tpu.dma_semaphore, #tpu.memory_space<semaphore_mem>>) src(%dma_wait3A_86 : memref<1000000x64xf32, #tpu.memory_space<hbm>>) dst(%dma_wait3A_80 : memref<72x64xf32, #tpu.memory_space<vmem>>)
      %broadcast_in_dim3A = arith.constant 0.000000e+00 : f32
      %broadcast_in_dim3A_87 = vector.broadcast %broadcast_in_dim3A : f32 to vector<16xf32>
      %scan3A_88 = arith.constant 0 : i32
      %scan3A_89 = arith.constant 200 : i32
      %scan3A_90 = arith.addi %scan3A_88, %scan3A_89 : i32
      %scan3A_91 = arith.constant 4 : i32
      %scan3A_92:4 = scf.for %scan3A_194 = %scan3A_88 to %scan3A_90 step %scan3A_91 iter_args(%scan3A_195 = %broadcast_in_dim3A_87, %scan3A_196 = %broadcast_in_dim3A_87, %scan3A_197 = %broadcast_in_dim3A_87, %scan3A_198 = %broadcast_in_dim3A_87) -> (vector<16xf32>, vector<16xf32>, vector<16xf32>, vector<16xf32>)  : i32 {
        %get3A = arith.constant 0 : i32
        %get3A_199 = arith.index_cast %get3A : i32 to index
        %get3A_200 = arith.index_cast %scan3A_194 : i32 to index
        %get3A_201 = arith.constant 0 : index
        %get3A_202 = tpu.vector_load %arg6[%get3A_199, %get3A_200, %get3A_201] {strides = array<i32>} : memref<2x200x64xf32, #tpu.memory_space<vmem>>, vector<1x1x16xf32>,
        %get3A_203 = vector.shape_cast %get3A_202 : vector<1x1x16xf32> to vector<16xf32>
        %add3A_204 = arith.addf %scan3A_195, %get3A_203 : vector<16xf32>
        %get3A_205 = arith.constant 0 : i32
        %get3A_206 = arith.index_cast %get3A_205 : i32 to index
        %get3A_207 = arith.index_cast %scan3A_194 : i32 to index
        %get3A_208 = arith.constant 16 : index
        %get3A_209 = tpu.vector_load %arg6[%get3A_206, %get3A_207, %get3A_208] {strides = array<i32>} : memref<2x200x64xf32, #tpu.memory_space<vmem>>, vector<1x1x16xf32>,
        %get3A_210 = vector.shape_cast %get3A_209 : vector<1x1x16xf32> to vector<16xf32>
        %add3A_211 = arith.addf %scan3A_196, %get3A_210 : vector<16xf32>
        %get3A_212 = arith.constant 0 : i32
        %get3A_213 = arith.index_cast %get3A_212 : i32 to index
        %get3A_214 = arith.index_cast %scan3A_194 : i32 to index
        %get3A_215 = arith.constant 32 : index
        %get3A_216 = tpu.vector_load %arg6[%get3A_213, %get3A_214, %get3A_215] {strides = array<i32>} : memref<2x200x64xf32, #tpu.memory_space<vmem>>, vector<1x1x16xf32>,
        %get3A_217 = vector.shape_cast %get3A_216 : vector<1x1x16xf32> to vector<16xf32>
        %add3A_218 = arith.addf %scan3A_197, %get3A_217 : vector<16xf32>
        %get3A_219 = arith.constant 0 : i32
        %get3A_220 = arith.index_cast %get3A_219 : i32 to index
        %get3A_221 = arith.index_cast %scan3A_194 : i32 to index
        %get3A_222 = arith.constant 48 : index
        %get3A_223 = tpu.vector_load %arg6[%get3A_220, %get3A_221, %get3A_222] {strides = array<i32>} : memref<2x200x64xf32, #tpu.memory_space<vmem>>, vector<1x1x16xf32>,
        %get3A_224 = vector.shape_cast %get3A_223 : vector<1x1x16xf32> to vector<16xf32>
        %add3A_225 = arith.addf %scan3A_198, %get3A_224 : vector<16xf32>
        %scan3A_226 = arith.constant 1 : i32
        %scan3A_227 = arith.addi %scan3A_194, %scan3A_226 : i32
        %get3A_228 = arith.constant 0 : i32
        %get3A_229 = arith.index_cast %get3A_228 : i32 to index
        %get3A_230 = arith.index_cast %scan3A_227 : i32 to index
        %get3A_231 = arith.constant 0 : index
        %get3A_232 = tpu.vector_load %arg6[%get3A_229, %get3A_230, %get3A_231] {strides = array<i32>} : memref<2x200x64xf32, #tpu.memory_space<vmem>>, vector<1x1x16xf32>,
        %get3A_233 = vector.shape_cast %get3A_232 : vector<1x1x16xf32> to vector<16xf32>
        %add3A_234 = arith.addf %add3A_204, %get3A_233 : vector<16xf32>
        %get3A_235 = arith.constant 0 : i32
        %get3A_236 = arith.index_cast %get3A_235 : i32 to index
        %get3A_237 = arith.index_cast %scan3A_227 : i32 to index
        %get3A_238 = arith.constant 16 : index
        %get3A_239 = tpu.vector_load %arg6[%get3A_236, %get3A_237, %get3A_238] {strides = array<i32>} : memref<2x200x64xf32, #tpu.memory_space<vmem>>, vector<1x1x16xf32>,
        %get3A_240 = vector.shape_cast %get3A_239 : vector<1x1x16xf32> to vector<16xf32>
        %add3A_241 = arith.addf %add3A_211, %get3A_240 : vector<16xf32>
        %get3A_242 = arith.constant 0 : i32
        %get3A_243 = arith.index_cast %get3A_242 : i32 to index
        %get3A_244 = arith.index_cast %scan3A_227 : i32 to index
        %get3A_245 = arith.constant 32 : index
        %get3A_246 = tpu.vector_load %arg6[%get3A_243, %get3A_244, %get3A_245] {strides = array<i32>} : memref<2x200x64xf32, #tpu.memory_space<vmem>>, vector<1x1x16xf32>,
        %get3A_247 = vector.shape_cast %get3A_246 : vector<1x1x16xf32> to vector<16xf32>
        %add3A_248 = arith.addf %add3A_218, %get3A_247 : vector<16xf32>
        %get3A_249 = arith.constant 0 : i32
        %get3A_250 = arith.index_cast %get3A_249 : i32 to index
        %get3A_251 = arith.index_cast %scan3A_227 : i32 to index
        %get3A_252 = arith.constant 48 : index
        %get3A_253 = tpu.vector_load %arg6[%get3A_250, %get3A_251, %get3A_252] {strides = array<i32>} : memref<2x200x64xf32, #tpu.memory_space<vmem>>, vector<1x1x16xf32>,
        %get3A_254 = vector.shape_cast %get3A_253 : vector<1x1x16xf32> to vector<16xf32>
        %add3A_255 = arith.addf %add3A_225, %get3A_254 : vector<16xf32>
        %scan3A_256 = arith.constant 2 : i32
        %scan3A_257 = arith.addi %scan3A_194, %scan3A_256 : i32
        %get3A_258 = arith.constant 0 : i32
        %get3A_259 = arith.index_cast %get3A_258 : i32 to index
        %get3A_260 = arith.index_cast %scan3A_257 : i32 to index
        %get3A_261 = arith.constant 0 : index
        %get3A_262 = tpu.vector_load %arg6[%get3A_259, %get3A_260, %get3A_261] {strides = array<i32>} : memref<2x200x64xf32, #tpu.memory_space<vmem>>, vector<1x1x16xf32>,
        %get3A_263 = vector.shape_cast %get3A_262 : vector<1x1x16xf32> to vector<16xf32>
        %add3A_264 = arith.addf %add3A_234, %get3A_263 : vector<16xf32>
        %get3A_265 = arith.constant 0 : i32
        %get3A_266 = arith.index_cast %get3A_265 : i32 to index
        %get3A_267 = arith.index_cast %scan3A_257 : i32 to index
        %get3A_268 = arith.constant 16 : index
        %get3A_269 = tpu.vector_load %arg6[%get3A_266, %get3A_267, %get3A_268] {strides = array<i32>} : memref<2x200x64xf32, #tpu.memory_space<vmem>>, vector<1x1x16xf32>,
        %get3A_270 = vector.shape_cast %get3A_269 : vector<1x1x16xf32> to vector<16xf32>
        %add3A_271 = arith.addf %add3A_241, %get3A_270 : vector<16xf32>
        %get3A_272 = arith.constant 0 : i32
        %get3A_273 = arith.index_cast %get3A_272 : i32 to index
        %get3A_274 = arith.index_cast %scan3A_257 : i32 to index
        %get3A_275 = arith.constant 32 : index
        %get3A_276 = tpu.vector_load %arg6[%get3A_273, %get3A_274, %get3A_275] {strides = array<i32>} : memref<2x200x64xf32, #tpu.memory_space<vmem>>, vector<1x1x16xf32>,
        %get3A_277 = vector.shape_cast %get3A_276 : vector<1x1x16xf32> to vector<16xf32>
        %add3A_278 = arith.addf %add3A_248, %get3A_277 : vector<16xf32>
        %get3A_279 = arith.constant 0 : i32
        %get3A_280 = arith.index_cast %get3A_279 : i32 to index
        %get3A_281 = arith.index_cast %scan3A_257 : i32 to index
        %get3A_282 = arith.constant 48 : index
        %get3A_283 = tpu.vector_load %arg6[%get3A_280, %get3A_281, %get3A_282] {strides = array<i32>} : memref<2x200x64xf32, #tpu.memory_space<vmem>>, vector<1x1x16xf32>,
        %get3A_284 = vector.shape_cast %get3A_283 : vector<1x1x16xf32> to vector<16xf32>
        %add3A_285 = arith.addf %add3A_255, %get3A_284 : vector<16xf32>
        %scan3A_286 = arith.constant 3 : i32
        %scan3A_287 = arith.addi %scan3A_194, %scan3A_286 : i32
        %get3A_288 = arith.constant 0 : i32
        %get3A_289 = arith.index_cast %get3A_288 : i32 to index
        %get3A_290 = arith.index_cast %scan3A_287 : i32 to index
        %get3A_291 = arith.constant 0 : index
        %get3A_292 = tpu.vector_load %arg6[%get3A_289, %get3A_290, %get3A_291] {strides = array<i32>} : memref<2x200x64xf32, #tpu.memory_space<vmem>>, vector<1x1x16xf32>,
        %get3A_293 = vector.shape_cast %get3A_292 : vector<1x1x16xf32> to vector<16xf32>
        %add3A_294 = arith.addf %add3A_264, %get3A_293 : vector<16xf32>
        %get3A_295 = arith.constant 0 : i32
        %get3A_296 = arith.index_cast %get3A_295 : i32 to index
        %get3A_297 = arith.index_cast %scan3A_287 : i32 to index
        %get3A_298 = arith.constant 16 : index
        %get3A_299 = tpu.vector_load %arg6[%get3A_296, %get3A_297, %get3A_298] {strides = array<i32>} : memref<2x200x64xf32, #tpu.memory_space<vmem>>, vector<1x1x16xf32>,
        %get3A_300 = vector.shape_cast %get3A_299 : vector<1x1x16xf32> to vector<16xf32>
        %add3A_301 = arith.addf %add3A_271, %get3A_300 : vector<16xf32>
        %get3A_302 = arith.constant 0 : i32
        %get3A_303 = arith.index_cast %get3A_302 : i32 to index
        %get3A_304 = arith.index_cast %scan3A_287 : i32 to index
        %get3A_305 = arith.constant 32 : index
        %get3A_306 = tpu.vector_load %arg6[%get3A_303, %get3A_304, %get3A_305] {strides = array<i32>} : memref<2x200x64xf32, #tpu.memory_space<vmem>>, vector<1x1x16xf32>,
        %get3A_307 = vector.shape_cast %get3A_306 : vector<1x1x16xf32> to vector<16xf32>
        %add3A_308 = arith.addf %add3A_278, %get3A_307 : vector<16xf32>
        %get3A_309 = arith.constant 0 : i32
        %get3A_310 = arith.index_cast %get3A_309 : i32 to index
        %get3A_311 = arith.index_cast %scan3A_287 : i32 to index
        %get3A_312 = arith.constant 48 : index
        %get3A_313 = tpu.vector_load %arg6[%get3A_310, %get3A_311, %get3A_312] {strides = array<i32>} : memref<2x200x64xf32, #tpu.memory_space<vmem>>, vector<1x1x16xf32>,
        %get3A_314 = vector.shape_cast %get3A_313 : vector<1x1x16xf32> to vector<16xf32>
        %add3A_315 = arith.addf %add3A_285, %get3A_314 : vector<16xf32>
        scf.yield %add3A_294, %add3A_301, %add3A_308, %add3A_315 : vector<16xf32>, vector<16xf32>, vector<16xf32>, vector<16xf32>
      }
      %scan3A_93 = arith.constant 200 : i32
      %swap3A = arith.constant 0 : i32
      %swap3A_94 = arith.constant 0 : i32
      %swap3A_95 = arith.index_cast %swap3A : i32 to index
      %swap3A_96 = arith.index_cast %swap3A_94 : i32 to index
      %swap3A_97 = arith.constant 0 : index
      %swap3A_98 = tpu.vector_load %arg7[%swap3A_95, %swap3A_96, %swap3A_97] {strides = array<i32>} : memref<2x1x64xf32, #tpu.memory_space<vmem>>, vector<1x1x16xf32>,
      %swap3A_99 = vector.shape_cast %swap3A_98 : vector<1x1x16xf32> to vector<16xf32>
      %swap3A_100 = vector.shape_cast %scan3A_92#0 : vector<16xf32> to vector<1x1x16xf32>
      tpu.vector_store %arg7[%swap3A_95, %swap3A_96, %swap3A_97], %swap3A_100 {strides = array<i32>} : memref<2x1x64xf32, #tpu.memory_space<vmem>>, vector<1x1x16xf32>,
      %swap3A_101 = arith.constant 0 : i32
      %swap3A_102 = arith.constant 0 : i32
      %swap3A_103 = arith.index_cast %swap3A_101 : i32 to index
      %swap3A_104 = arith.index_cast %swap3A_102 : i32 to index
      %swap3A_105 = arith.constant 16 : index
      %swap3A_106 = tpu.vector_load %arg7[%swap3A_103, %swap3A_104, %swap3A_105] {strides = array<i32>} : memref<2x1x64xf32, #tpu.memory_space<vmem>>, vector<1x1x16xf32>,
      %swap3A_107 = vector.shape_cast %swap3A_106 : vector<1x1x16xf32> to vector<16xf32>
      %swap3A_108 = vector.shape_cast %scan3A_92#1 : vector<16xf32> to vector<1x1x16xf32>
      tpu.vector_store %arg7[%swap3A_103, %swap3A_104, %swap3A_105], %swap3A_108 {strides = array<i32>} : memref<2x1x64xf32, #tpu.memory_space<vmem>>, vector<1x1x16xf32>,
      %swap3A_109 = arith.constant 0 : i32
      %swap3A_110 = arith.constant 0 : i32
      %swap3A_111 = arith.index_cast %swap3A_109 : i32 to index
      %swap3A_112 = arith.index_cast %swap3A_110 : i32 to index
      %swap3A_113 = arith.constant 32 : index
      %swap3A_114 = tpu.vector_load %arg7[%swap3A_111, %swap3A_112, %swap3A_113] {strides = array<i32>} : memref<2x1x64xf32, #tpu.memory_space<vmem>>, vector<1x1x16xf32>,
      %swap3A_115 = vector.shape_cast %swap3A_114 : vector<1x1x16xf32> to vector<16xf32>
      %swap3A_116 = vector.shape_cast %scan3A_92#2 : vector<16xf32> to vector<1x1x16xf32>
      tpu.vector_store %arg7[%swap3A_111, %swap3A_112, %swap3A_113], %swap3A_116 {strides = array<i32>} : memref<2x1x64xf32, #tpu.memory_space<vmem>>, vector<1x1x16xf32>,
      %swap3A_117 = arith.constant 0 : i32
      %swap3A_118 = arith.constant 0 : i32
      %swap3A_119 = arith.index_cast %swap3A_117 : i32 to index
      %swap3A_120 = arith.index_cast %swap3A_118 : i32 to index
      %swap3A_121 = arith.constant 48 : index
      %swap3A_122 = tpu.vector_load %arg7[%swap3A_119, %swap3A_120, %swap3A_121] {strides = array<i32>} : memref<2x1x64xf32, #tpu.memory_space<vmem>>, vector<1x1x16xf32>,
      %swap3A_123 = vector.shape_cast %swap3A_122 : vector<1x1x16xf32> to vector<16xf32>
      %swap3A_124 = vector.shape_cast %scan3A_92#3 : vector<16xf32> to vector<1x1x16xf32>
      tpu.vector_store %arg7[%swap3A_119, %swap3A_120, %swap3A_121], %swap3A_124 {strides = array<i32>} : memref<2x1x64xf32, #tpu.memory_space<vmem>>, vector<1x1x16xf32>,
      %run_scoped3A_125 = arith.constant 0 : i32
      "tpu.region"() ({
        %run_scoped3A_194 = tpu.sem_alloc : memref<!tpu.dma_semaphore, #tpu.memory_space<semaphore_mem>>
        %dma_start3A_195 = arith.constant 0 : i32
        %dma_start3A_196 = arith.constant 0 : i32
        %dma_start3A_197 = tpu.memref_slice %arg7[%run_scoped3A_125, %dma_start3A_195, %dma_start3A_196] : memref<2x1x64xf32, #tpu.memory_space<vmem>> -> memref<1x1x64xf32, #tpu.memory_space<vmem>>
        %dma_start3A_198 = tpu.memref_squeeze %dma_start3A_197 : memref<1x1x64xf32, #tpu.memory_space<vmem>> -> memref<1x64xf32, #tpu.memory_space<vmem>>
        %dma_start3A_199 = arith.constant 0 : i32
        %dma_start3A_200 = tpu.memref_slice %arg4[%add3A_13, %dma_start3A_199] : memref<4096x64xf32, #tpu.memory_space<hbm>> -> memref<1x64xf32, #tpu.memory_space<hbm>>
        %dma_start3A_201 = arith.constant 0 : i32
        %dma_start3A_202 = tpu.memref_slice %arg4[%add3A_13, %dma_start3A_201] : memref<4096x64xf32, #tpu.memory_space<hbm>> -> memref<1x64xf32, #tpu.memory_space<hbm>>
        %dma_start3A_203 = arith.constant 0 : i32
        %dma_start3A_204 = arith.constant 0 : i32
        %dma_start3A_205 = tpu.memref_slice %arg7[%run_scoped3A_125, %dma_start3A_203, %dma_start3A_204] : memref<2x1x64xf32, #tpu.memory_space<vmem>> -> memref<1x1x64xf32, #tpu.memory_space<vmem>>
        %dma_start3A_206 = tpu.memref_squeeze %dma_start3A_205 : memref<1x1x64xf32, #tpu.memory_space<vmem>> -> memref<1x64xf32, #tpu.memory_space<vmem>>
        tpu.enqueue_dma source(%dma_start3A_206 : memref<1x64xf32, #tpu.memory_space<vmem>>) target(%dma_start3A_202 : memref<1x64xf32, #tpu.memory_space<hbm>>) target_semaphore(%run_scoped3A_194 : memref<!tpu.dma_semaphore, #tpu.memory_space<semaphore_mem>>)
        %dma_wait3A_207 = arith.constant 0 : i32
        %dma_wait3A_208 = arith.constant 0 : i32
        %dma_wait3A_209 = tpu.memref_slice %arg7[%run_scoped3A_125, %dma_wait3A_207, %dma_wait3A_208] : memref<2x1x64xf32, #tpu.memory_space<vmem>> -> memref<1x1x64xf32, #tpu.memory_space<vmem>>
        %dma_wait3A_210 = tpu.memref_squeeze %dma_wait3A_209 : memref<1x1x64xf32, #tpu.memory_space<vmem>> -> memref<1x64xf32, #tpu.memory_space<vmem>>
        %dma_wait3A_211 = arith.constant 0 : i32
        %dma_wait3A_212 = tpu.memref_slice %arg4[%add3A_13, %dma_wait3A_211] : memref<4096x64xf32, #tpu.memory_space<hbm>> -> memref<1x64xf32, #tpu.memory_space<hbm>>
        %dma_wait3A_213 = arith.constant 0 : i32
        %dma_wait3A_214 = tpu.memref_slice %arg4[%add3A_13, %dma_wait3A_213] : memref<4096x64xf32, #tpu.memory_space<hbm>> -> memref<1x64xf32, #tpu.memory_space<hbm>>
        %dma_wait3A_215 = arith.constant 0 : i32
        %dma_wait3A_216 = arith.constant 0 : i32
        %dma_wait3A_217 = tpu.memref_slice %arg7[%run_scoped3A_125, %dma_wait3A_215, %dma_wait3A_216] : memref<2x1x64xf32, #tpu.memory_space<vmem>> -> memref<1x1x64xf32, #tpu.memory_space<vmem>>
        %dma_wait3A_218 = tpu.memref_squeeze %dma_wait3A_217 : memref<1x1x64xf32, #tpu.memory_space<vmem>> -> memref<1x64xf32, #tpu.memory_space<vmem>>
        tpu.wait_dma2 semaphore(%run_scoped3A_194 : memref<!tpu.dma_semaphore, #tpu.memory_space<semaphore_mem>>) src(%dma_wait3A_218 : memref<1x64xf32, #tpu.memory_space<vmem>>) dst(%dma_wait3A_214 : memref<1x64xf32, #tpu.memory_space<hbm>>)
        tpu.yield
      }) : () -> ()
      %add3A_126 = arith.constant 1 : i32
      %add3A_127 = arith.addi %add3A_13, %add3A_126 : i32
      %dma_wait3A_128 = arith.constant 1 : i32
      %dma_wait3A_129 = arith.constant 1 : i32
      %dma_wait3A_130 = arith.constant 0 : i32
      %dma_wait3A_131 = arith.constant 0 : i32
      %dma_wait3A_132 = tpu.memref_slice %arg6[%dma_wait3A_129, %dma_wait3A_130, %dma_wait3A_131] : memref<2x200x64xf32, #tpu.memory_space<vmem>> -> memref<1x128x64xf32, #tpu.memory_space<vmem>>
      %dma_wait3A_133 = tpu.memref_squeeze %dma_wait3A_132 : memref<1x128x64xf32, #tpu.memory_space<vmem>> -> memref<128x64xf32, #tpu.memory_space<vmem>>
      %dma_wait3A_134 = arith.constant 0 : i32
      %dma_wait3A_135 = tpu.memref_slice %arg5[%dma_wait3A_128, %dma_wait3A_134] : memref<2x200xi32, #tpu.memory_space<vmem>> -> memref<1x128xi32, #tpu.memory_space<vmem>>
      %dma_wait3A_136 = tpu.memref_squeeze %dma_wait3A_135 : memref<1x128xi32, #tpu.memory_space<vmem>> -> memref<128xi32, #tpu.memory_space<vmem>>
      %dma_wait3A_137 = arith.constant 0 : i32
      %dma_wait3A_138 = arith.constant 0 : i32
      %dma_wait3A_139 = tpu.memref_slice %arg3[%dma_wait3A_137, %dma_wait3A_138] : memref<1000000x64xf32, #tpu.memory_space<hbm>> -> memref<1000000x64xf32, #tpu.memory_space<hbm>>
      tpu.wait_indirect_dma semaphore(%arg9 : memref<!tpu.dma_semaphore, #tpu.memory_space<semaphore_mem>>) src(%dma_wait3A_139 : memref<1000000x64xf32, #tpu.memory_space<hbm>>) dst(%dma_wait3A_133 : memref<128x64xf32, #tpu.memory_space<vmem>>)
      %dma_wait3A_140 = arith.constant 1 : i32
      %dma_wait3A_141 = arith.constant 1 : i32
      %dma_wait3A_142 = arith.constant 128 : i32
      %dma_wait3A_143 = arith.constant 0 : i32
      %dma_wait3A_144 = tpu.memref_slice %arg6[%dma_wait3A_141, %dma_wait3A_142, %dma_wait3A_143] : memref<2x200x64xf32, #tpu.memory_space<vmem>> -> memref<1x72x64xf32, #tpu.memory_space<vmem>>
      %dma_wait3A_145 = tpu.memref_squeeze %dma_wait3A_144 : memref<1x72x64xf32, #tpu.memory_space<vmem>> -> memref<72x64xf32, #tpu.memory_space<vmem>>
      %dma_wait3A_146 = arith.constant 128 : i32
      %dma_wait3A_147 = tpu.memref_slice %arg5[%dma_wait3A_140, %dma_wait3A_146] : memref<2x200xi32, #tpu.memory_space<vmem>> -> memref<1x72xi32, #tpu.memory_space<vmem>>
      %dma_wait3A_148 = tpu.memref_squeeze %dma_wait3A_147 : memref<1x72xi32, #tpu.memory_space<vmem>> -> memref<72xi32, #tpu.memory_space<vmem>>
      %dma_wait3A_149 = arith.constant 0 : i32
      %dma_wait3A_150 = arith.constant 0 : i32
      %dma_wait3A_151 = tpu.memref_slice %arg3[%dma_wait3A_149, %dma_wait3A_150] : memref<1000000x64xf32, #tpu.memory_space<hbm>> -> memref<1000000x64xf32, #tpu.memory_space<hbm>>
      tpu.wait_indirect_dma semaphore(%arg9 : memref<!tpu.dma_semaphore, #tpu.memory_space<semaphore_mem>>) src(%dma_wait3A_151 : memref<1000000x64xf32, #tpu.memory_space<hbm>>) dst(%dma_wait3A_145 : memref<72x64xf32, #tpu.memory_space<vmem>>)
      %broadcast_in_dim3A_152 = arith.constant 0.000000e+00 : f32
      %broadcast_in_dim3A_153 = vector.broadcast %broadcast_in_dim3A_152 : f32 to vector<16xf32>
      %scan3A_154 = arith.constant 0 : i32
      %scan3A_155 = arith.constant 200 : i32
      %scan3A_156 = arith.addi %scan3A_154, %scan3A_155 : i32
      %scan3A_157 = arith.constant 4 : i32
      %scan3A_158:4 = scf.for %scan3A_194 = %scan3A_154 to %scan3A_156 step %scan3A_157 iter_args(%scan3A_195 = %broadcast_in_dim3A_153, %scan3A_196 = %broadcast_in_dim3A_153, %scan3A_197 = %broadcast_in_dim3A_153, %scan3A_198 = %broadcast_in_dim3A_153) -> (vector<16xf32>, vector<16xf32>, vector<16xf32>, vector<16xf32>)  : i32 {
        %get3A = arith.constant 1 : i32
        %get3A_199 = arith.index_cast %get3A : i32 to index
        %get3A_200 = arith.index_cast %scan3A_194 : i32 to index
        %get3A_201 = arith.constant 0 : index
        %get3A_202 = tpu.vector_load %arg6[%get3A_199, %get3A_200, %get3A_201] {strides = array<i32>} : memref<2x200x64xf32, #tpu.memory_space<vmem>>, vector<1x1x16xf32>,
        %get3A_203 = vector.shape_cast %get3A_202 : vector<1x1x16xf32> to vector<16xf32>
        %add3A_204 = arith.addf %scan3A_195, %get3A_203 : vector<16xf32>
        %get3A_205 = arith.constant 1 : i32
        %get3A_206 = arith.index_cast %get3A_205 : i32 to index
        %get3A_207 = arith.index_cast %scan3A_194 : i32 to index
        %get3A_208 = arith.constant 16 : index
        %get3A_209 = tpu.vector_load %arg6[%get3A_206, %get3A_207, %get3A_208] {strides = array<i32>} : memref<2x200x64xf32, #tpu.memory_space<vmem>>, vector<1x1x16xf32>,
        %get3A_210 = vector.shape_cast %get3A_209 : vector<1x1x16xf32> to vector<16xf32>
        %add3A_211 = arith.addf %scan3A_196, %get3A_210 : vector<16xf32>
        %get3A_212 = arith.constant 1 : i32
        %get3A_213 = arith.index_cast %get3A_212 : i32 to index
        %get3A_214 = arith.index_cast %scan3A_194 : i32 to index
        %get3A_215 = arith.constant 32 : index
        %get3A_216 = tpu.vector_load %arg6[%get3A_213, %get3A_214, %get3A_215] {strides = array<i32>} : memref<2x200x64xf32, #tpu.memory_space<vmem>>, vector<1x1x16xf32>,
        %get3A_217 = vector.shape_cast %get3A_216 : vector<1x1x16xf32> to vector<16xf32>
        %add3A_218 = arith.addf %scan3A_197, %get3A_217 : vector<16xf32>
        %get3A_219 = arith.constant 1 : i32
        %get3A_220 = arith.index_cast %get3A_219 : i32 to index
        %get3A_221 = arith.index_cast %scan3A_194 : i32 to index
        %get3A_222 = arith.constant 48 : index
        %get3A_223 = tpu.vector_load %arg6[%get3A_220, %get3A_221, %get3A_222] {strides = array<i32>} : memref<2x200x64xf32, #tpu.memory_space<vmem>>, vector<1x1x16xf32>,
        %get3A_224 = vector.shape_cast %get3A_223 : vector<1x1x16xf32> to vector<16xf32>
        %add3A_225 = arith.addf %scan3A_198, %get3A_224 : vector<16xf32>
        %scan3A_226 = arith.constant 1 : i32
        %scan3A_227 = arith.addi %scan3A_194, %scan3A_226 : i32
        %get3A_228 = arith.constant 1 : i32
        %get3A_229 = arith.index_cast %get3A_228 : i32 to index
        %get3A_230 = arith.index_cast %scan3A_227 : i32 to index
        %get3A_231 = arith.constant 0 : index
        %get3A_232 = tpu.vector_load %arg6[%get3A_229, %get3A_230, %get3A_231] {strides = array<i32>} : memref<2x200x64xf32, #tpu.memory_space<vmem>>, vector<1x1x16xf32>,
        %get3A_233 = vector.shape_cast %get3A_232 : vector<1x1x16xf32> to vector<16xf32>
        %add3A_234 = arith.addf %add3A_204, %get3A_233 : vector<16xf32>
        %get3A_235 = arith.constant 1 : i32
        %get3A_236 = arith.index_cast %get3A_235 : i32 to index
        %get3A_237 = arith.index_cast %scan3A_227 : i32 to index
        %get3A_238 = arith.constant 16 : index
        %get3A_239 = tpu.vector_load %arg6[%get3A_236, %get3A_237, %get3A_238] {strides = array<i32>} : memref<2x200x64xf32, #tpu.memory_space<vmem>>, vector<1x1x16xf32>,
        %get3A_240 = vector.shape_cast %get3A_239 : vector<1x1x16xf32> to vector<16xf32>
        %add3A_241 = arith.addf %add3A_211, %get3A_240 : vector<16xf32>
        %get3A_242 = arith.constant 1 : i32
        %get3A_243 = arith.index_cast %get3A_242 : i32 to index
        %get3A_244 = arith.index_cast %scan3A_227 : i32 to index
        %get3A_245 = arith.constant 32 : index
        %get3A_246 = tpu.vector_load %arg6[%get3A_243, %get3A_244, %get3A_245] {strides = array<i32>} : memref<2x200x64xf32, #tpu.memory_space<vmem>>, vector<1x1x16xf32>,
        %get3A_247 = vector.shape_cast %get3A_246 : vector<1x1x16xf32> to vector<16xf32>
        %add3A_248 = arith.addf %add3A_218, %get3A_247 : vector<16xf32>
        %get3A_249 = arith.constant 1 : i32
        %get3A_250 = arith.index_cast %get3A_249 : i32 to index
        %get3A_251 = arith.index_cast %scan3A_227 : i32 to index
        %get3A_252 = arith.constant 48 : index
        %get3A_253 = tpu.vector_load %arg6[%get3A_250, %get3A_251, %get3A_252] {strides = array<i32>} : memref<2x200x64xf32, #tpu.memory_space<vmem>>, vector<1x1x16xf32>,
        %get3A_254 = vector.shape_cast %get3A_253 : vector<1x1x16xf32> to vector<16xf32>
        %add3A_255 = arith.addf %add3A_225, %get3A_254 : vector<16xf32>
        %scan3A_256 = arith.constant 2 : i32
        %scan3A_257 = arith.addi %scan3A_194, %scan3A_256 : i32
        %get3A_258 = arith.constant 1 : i32
        %get3A_259 = arith.index_cast %get3A_258 : i32 to index
        %get3A_260 = arith.index_cast %scan3A_257 : i32 to index
        %get3A_261 = arith.constant 0 : index
        %get3A_262 = tpu.vector_load %arg6[%get3A_259, %get3A_260, %get3A_261] {strides = array<i32>} : memref<2x200x64xf32, #tpu.memory_space<vmem>>, vector<1x1x16xf32>,
        %get3A_263 = vector.shape_cast %get3A_262 : vector<1x1x16xf32> to vector<16xf32>
        %add3A_264 = arith.addf %add3A_234, %get3A_263 : vector<16xf32>
        %get3A_265 = arith.constant 1 : i32
        %get3A_266 = arith.index_cast %get3A_265 : i32 to index
        %get3A_267 = arith.index_cast %scan3A_257 : i32 to index
        %get3A_268 = arith.constant 16 : index
        %get3A_269 = tpu.vector_load %arg6[%get3A_266, %get3A_267, %get3A_268] {strides = array<i32>} : memref<2x200x64xf32, #tpu.memory_space<vmem>>, vector<1x1x16xf32>,
        %get3A_270 = vector.shape_cast %get3A_269 : vector<1x1x16xf32> to vector<16xf32>
        %add3A_271 = arith.addf %add3A_241, %get3A_270 : vector<16xf32>
        %get3A_272 = arith.constant 1 : i32
        %get3A_273 = arith.index_cast %get3A_272 : i32 to index
        %get3A_274 = arith.index_cast %scan3A_257 : i32 to index
        %get3A_275 = arith.constant 32 : index
        %get3A_276 = tpu.vector_load %arg6[%get3A_273, %get3A_274, %get3A_275] {strides = array<i32>} : memref<2x200x64xf32, #tpu.memory_space<vmem>>, vector<1x1x16xf32>,
        %get3A_277 = vector.shape_cast %get3A_276 : vector<1x1x16xf32> to vector<16xf32>
        %add3A_278 = arith.addf %add3A_248, %get3A_277 : vector<16xf32>
        %get3A_279 = arith.constant 1 : i32
        %get3A_280 = arith.index_cast %get3A_279 : i32 to index
        %get3A_281 = arith.index_cast %scan3A_257 : i32 to index
        %get3A_282 = arith.constant 48 : index
        %get3A_283 = tpu.vector_load %arg6[%get3A_280, %get3A_281, %get3A_282] {strides = array<i32>} : memref<2x200x64xf32, #tpu.memory_space<vmem>>, vector<1x1x16xf32>,
        %get3A_284 = vector.shape_cast %get3A_283 : vector<1x1x16xf32> to vector<16xf32>
        %add3A_285 = arith.addf %add3A_255, %get3A_284 : vector<16xf32>
        %scan3A_286 = arith.constant 3 : i32
        %scan3A_287 = arith.addi %scan3A_194, %scan3A_286 : i32
        %get3A_288 = arith.constant 1 : i32
        %get3A_289 = arith.index_cast %get3A_288 : i32 to index
        %get3A_290 = arith.index_cast %scan3A_287 : i32 to index
        %get3A_291 = arith.constant 0 : index
        %get3A_292 = tpu.vector_load %arg6[%get3A_289, %get3A_290, %get3A_291] {strides = array<i32>} : memref<2x200x64xf32, #tpu.memory_space<vmem>>, vector<1x1x16xf32>,
        %get3A_293 = vector.shape_cast %get3A_292 : vector<1x1x16xf32> to vector<16xf32>
        %add3A_294 = arith.addf %add3A_264, %get3A_293 : vector<16xf32>
        %get3A_295 = arith.constant 1 : i32
        %get3A_296 = arith.index_cast %get3A_295 : i32 to index
        %get3A_297 = arith.index_cast %scan3A_287 : i32 to index
        %get3A_298 = arith.constant 16 : index
        %get3A_299 = tpu.vector_load %arg6[%get3A_296, %get3A_297, %get3A_298] {strides = array<i32>} : memref<2x200x64xf32, #tpu.memory_space<vmem>>, vector<1x1x16xf32>,
        %get3A_300 = vector.shape_cast %get3A_299 : vector<1x1x16xf32> to vector<16xf32>
        %add3A_301 = arith.addf %add3A_271, %get3A_300 : vector<16xf32>
        %get3A_302 = arith.constant 1 : i32
        %get3A_303 = arith.index_cast %get3A_302 : i32 to index
        %get3A_304 = arith.index_cast %scan3A_287 : i32 to index
        %get3A_305 = arith.constant 32 : index
        %get3A_306 = tpu.vector_load %arg6[%get3A_303, %get3A_304, %get3A_305] {strides = array<i32>} : memref<2x200x64xf32, #tpu.memory_space<vmem>>, vector<1x1x16xf32>,
        %get3A_307 = vector.shape_cast %get3A_306 : vector<1x1x16xf32> to vector<16xf32>
        %add3A_308 = arith.addf %add3A_278, %get3A_307 : vector<16xf32>
        %get3A_309 = arith.constant 1 : i32
        %get3A_310 = arith.index_cast %get3A_309 : i32 to index
        %get3A_311 = arith.index_cast %scan3A_287 : i32 to index
        %get3A_312 = arith.constant 48 : index
        %get3A_313 = tpu.vector_load %arg6[%get3A_310, %get3A_311, %get3A_312] {strides = array<i32>} : memref<2x200x64xf32, #tpu.memory_space<vmem>>, vector<1x1x16xf32>,
        %get3A_314 = vector.shape_cast %get3A_313 : vector<1x1x16xf32> to vector<16xf32>
        %add3A_315 = arith.addf %add3A_285, %get3A_314 : vector<16xf32>
        scf.yield %add3A_294, %add3A_301, %add3A_308, %add3A_315 : vector<16xf32>, vector<16xf32>, vector<16xf32>, vector<16xf32>
      }
      %scan3A_159 = arith.constant 200 : i32
      %swap3A_160 = arith.constant 1 : i32
      %swap3A_161 = arith.constant 0 : i32
      %swap3A_162 = arith.index_cast %swap3A_160 : i32 to index
      %swap3A_163 = arith.index_cast %swap3A_161 : i32 to index
      %swap3A_164 = arith.constant 0 : index
      %swap3A_165 = tpu.vector_load %arg7[%swap3A_162, %swap3A_163, %swap3A_164] {strides = array<i32>} : memref<2x1x64xf32, #tpu.memory_space<vmem>>, vector<1x1x16xf32>,
      %swap3A_166 = vector.shape_cast %swap3A_165 : vector<1x1x16xf32> to vector<16xf32>
      %swap3A_167 = vector.shape_cast %scan3A_158#0 : vector<16xf32> to vector<1x1x16xf32>
      tpu.vector_store %arg7[%swap3A_162, %swap3A_163, %swap3A_164], %swap3A_167 {strides = array<i32>} : memref<2x1x64xf32, #tpu.memory_space<vmem>>, vector<1x1x16xf32>,
      %swap3A_168 = arith.constant 1 : i32
      %swap3A_169 = arith.constant 0 : i32
      %swap3A_170 = arith.index_cast %swap3A_168 : i32 to index
      %swap3A_171 = arith.index_cast %swap3A_169 : i32 to index
      %swap3A_172 = arith.constant 16 : index
      %swap3A_173 = tpu.vector_load %arg7[%swap3A_170, %swap3A_171, %swap3A_172] {strides = array<i32>} : memref<2x1x64xf32, #tpu.memory_space<vmem>>, vector<1x1x16xf32>,
      %swap3A_174 = vector.shape_cast %swap3A_173 : vector<1x1x16xf32> to vector<16xf32>
      %swap3A_175 = vector.shape_cast %scan3A_158#1 : vector<16xf32> to vector<1x1x16xf32>
      tpu.vector_store %arg7[%swap3A_170, %swap3A_171, %swap3A_172], %swap3A_175 {strides = array<i32>} : memref<2x1x64xf32, #tpu.memory_space<vmem>>, vector<1x1x16xf32>,
      %swap3A_176 = arith.constant 1 : i32
      %swap3A_177 = arith.constant 0 : i32
      %swap3A_178 = arith.index_cast %swap3A_176 : i32 to index
      %swap3A_179 = arith.index_cast %swap3A_177 : i32 to index
      %swap3A_180 = arith.constant 32 : index
      %swap3A_181 = tpu.vector_load %arg7[%swap3A_178, %swap3A_179, %swap3A_180] {strides = array<i32>} : memref<2x1x64xf32, #tpu.memory_space<vmem>>, vector<1x1x16xf32>,
      %swap3A_182 = vector.shape_cast %swap3A_181 : vector<1x1x16xf32> to vector<16xf32>
      %swap3A_183 = vector.shape_cast %scan3A_158#2 : vector<16xf32> to vector<1x1x16xf32>
      tpu.vector_store %arg7[%swap3A_178, %swap3A_179, %swap3A_180], %swap3A_183 {strides = array<i32>} : memref<2x1x64xf32, #tpu.memory_space<vmem>>, vector<1x1x16xf32>,
      %swap3A_184 = arith.constant 1 : i32
      %swap3A_185 = arith.constant 0 : i32
      %swap3A_186 = arith.index_cast %swap3A_184 : i32 to index
      %swap3A_187 = arith.index_cast %swap3A_185 : i32 to index
      %swap3A_188 = arith.constant 48 : index
      %swap3A_189 = tpu.vector_load %arg7[%swap3A_186, %swap3A_187, %swap3A_188] {strides = array<i32>} : memref<2x1x64xf32, #tpu.memory_space<vmem>>, vector<1x1x16xf32>,
      %swap3A_190 = vector.shape_cast %swap3A_189 : vector<1x1x16xf32> to vector<16xf32>
      %swap3A_191 = vector.shape_cast %scan3A_158#3 : vector<16xf32> to vector<1x1x16xf32>
      tpu.vector_store %arg7[%swap3A_186, %swap3A_187, %swap3A_188], %swap3A_191 {strides = array<i32>} : memref<2x1x64xf32, #tpu.memory_space<vmem>>, vector<1x1x16xf32>,
      %run_scoped3A_192 = arith.constant 1 : i32
      "tpu.region"() ({
        %run_scoped3A_194 = tpu.sem_alloc : memref<!tpu.dma_semaphore, #tpu.memory_space<semaphore_mem>>
        %dma_start3A_195 = arith.constant 0 : i32
        %dma_start3A_196 = arith.constant 0 : i32
        %dma_start3A_197 = tpu.memref_slice %arg7[%run_scoped3A_192, %dma_start3A_195, %dma_start3A_196] : memref<2x1x64xf32, #tpu.memory_space<vmem>> -> memref<1x1x64xf32, #tpu.memory_space<vmem>>
        %dma_start3A_198 = tpu.memref_squeeze %dma_start3A_197 : memref<1x1x64xf32, #tpu.memory_space<vmem>> -> memref<1x64xf32, #tpu.memory_space<vmem>>
        %dma_start3A_199 = arith.constant 0 : i32
        %dma_start3A_200 = tpu.memref_slice %arg4[%add3A_127, %dma_start3A_199] : memref<4096x64xf32, #tpu.memory_space<hbm>> -> memref<1x64xf32, #tpu.memory_space<hbm>>
        %dma_start3A_201 = arith.constant 0 : i32
        %dma_start3A_202 = tpu.memref_slice %arg4[%add3A_127, %dma_start3A_201] : memref<4096x64xf32, #tpu.memory_space<hbm>> -> memref<1x64xf32, #tpu.memory_space<hbm>>
        %dma_start3A_203 = arith.constant 0 : i32
        %dma_start3A_204 = arith.constant 0 : i32
        %dma_start3A_205 = tpu.memref_slice %arg7[%run_scoped3A_192, %dma_start3A_203, %dma_start3A_204] : memref<2x1x64xf32, #tpu.memory_space<vmem>> -> memref<1x1x64xf32, #tpu.memory_space<vmem>>
        %dma_start3A_206 = tpu.memref_squeeze %dma_start3A_205 : memref<1x1x64xf32, #tpu.memory_space<vmem>> -> memref<1x64xf32, #tpu.memory_space<vmem>>
        tpu.enqueue_dma source(%dma_start3A_206 : memref<1x64xf32, #tpu.memory_space<vmem>>) target(%dma_start3A_202 : memref<1x64xf32, #tpu.memory_space<hbm>>) target_semaphore(%run_scoped3A_194 : memref<!tpu.dma_semaphore, #tpu.memory_space<semaphore_mem>>)
        %dma_wait3A_207 = arith.constant 0 : i32
        %dma_wait3A_208 = arith.constant 0 : i32
        %dma_wait3A_209 = tpu.memref_slice %arg7[%run_scoped3A_192, %dma_wait3A_207, %dma_wait3A_208] : memref<2x1x64xf32, #tpu.memory_space<vmem>> -> memref<1x1x64xf32, #tpu.memory_space<vmem>>
        %dma_wait3A_210 = tpu.memref_squeeze %dma_wait3A_209 : memref<1x1x64xf32, #tpu.memory_space<vmem>> -> memref<1x64xf32, #tpu.memory_space<vmem>>
        %dma_wait3A_211 = arith.constant 0 : i32
        %dma_wait3A_212 = tpu.memref_slice %arg4[%add3A_127, %dma_wait3A_211] : memref<4096x64xf32, #tpu.memory_space<hbm>> -> memref<1x64xf32, #tpu.memory_space<hbm>>
        %dma_wait3A_213 = arith.constant 0 : i32
        %dma_wait3A_214 = tpu.memref_slice %arg4[%add3A_127, %dma_wait3A_213] : memref<4096x64xf32, #tpu.memory_space<hbm>> -> memref<1x64xf32, #tpu.memory_space<hbm>>
        %dma_wait3A_215 = arith.constant 0 : i32
        %dma_wait3A_216 = arith.constant 0 : i32
        %dma_wait3A_217 = tpu.memref_slice %arg7[%run_scoped3A_192, %dma_wait3A_215, %dma_wait3A_216] : memref<2x1x64xf32, #tpu.memory_space<vmem>> -> memref<1x1x64xf32, #tpu.memory_space<vmem>>
        %dma_wait3A_218 = tpu.memref_squeeze %dma_wait3A_217 : memref<1x1x64xf32, #tpu.memory_space<vmem>> -> memref<1x64xf32, #tpu.memory_space<vmem>>
        tpu.wait_dma2 semaphore(%run_scoped3A_194 : memref<!tpu.dma_semaphore, #tpu.memory_space<semaphore_mem>>) src(%dma_wait3A_218 : memref<1x64xf32, #tpu.memory_space<vmem>>) dst(%dma_wait3A_214 : memref<1x64xf32, #tpu.memory_space<hbm>>)
        tpu.yield
      }) : () -> ()
      %scan3A_193 = arith.constant 0 : i32
      scf.yield %scan3A_193 : i32
    }
    %scan3A_8 = arith.constant 64 : i32
    return
  }
}

module attributes {stable_mosaic.version = 14 : i64} {
  func.func @_tc_head(%arg0: i32, %arg1: memref<512x256xi32, #tpu.memory_space<vmem>>, %arg2: memref<512x64xf32, #tpu.memory_space<vmem>>, %arg3: memref<512x1xi32, #tpu.memory_space<vmem>>, %arg4: memref<1x3xf32, #tpu.memory_space<smem>>, %arg5: memref<256x64xf32, #tpu.memory_space<vmem>>, %arg6: memref<1x128xf32, #tpu.memory_space<vmem>>, %arg7: memref<1x128xf32, #tpu.memory_space<vmem>>, %arg8: memref<128x256xf32, #tpu.memory_space<vmem>>, %arg9: memref<1x256xf32, #tpu.memory_space<vmem>>, %arg10: memref<1x256xf32, #tpu.memory_space<vmem>>, %arg11: memref<1x1xf32, #tpu.memory_space<vmem>>, %arg12: memref<512x1xf32, #tpu.memory_space<vmem>>) attributes {dimension_semantics = [#tpu.dimension_semantics<arbitrary>], iteration_bounds = array<i64: 8>, scalar_prefetch = 0 : i64, scratch_operands = 0 : i64, tpu.core_type = #tpu.core_type<tc>, window_params = [{transform_indices = @transform_0, window_bounds = array<i64: 512, 256>}, {transform_indices = @transform_1, window_bounds = array<i64: 512, 64>}, {transform_indices = @transform_2, window_bounds = array<i64: 512, 1>}, {transform_indices = @transform_3, window_bounds = array<i64: 1, 3>}, {pipeline_mode = #tpu.pipeline_mode<synchronous>, transform_indices = @transform_4, window_bounds = array<i64: 256, 64>}, {pipeline_mode = #tpu.pipeline_mode<synchronous>, transform_indices = @transform_5, window_bounds = array<i64: 1, 128>}, {pipeline_mode = #tpu.pipeline_mode<synchronous>, transform_indices = @transform_6, window_bounds = array<i64: 1, 128>}, {pipeline_mode = #tpu.pipeline_mode<synchronous>, transform_indices = @transform_7, window_bounds = array<i64: 128, 256>}, {pipeline_mode = #tpu.pipeline_mode<synchronous>, transform_indices = @transform_8, window_bounds = array<i64: 1, 256>}, {pipeline_mode = #tpu.pipeline_mode<synchronous>, transform_indices = @transform_9, window_bounds = array<i64: 1, 256>}, {pipeline_mode = #tpu.pipeline_mode<synchronous>, transform_indices = @transform_10, window_bounds = array<i64: 1, 1>}, {transform_indices = @transform_11, window_bounds = array<i64: 512, 1>}]} {
    %get3A = arith.constant 0 : index
    %get3A_0 = arith.constant 0 : index
    %get3A_1 = vector.load %arg1[%get3A, %get3A_0] : memref<512x256xi32, #tpu.memory_space<vmem>>, vector<512x256xi32>
    %ne3A = arith.constant 0 : i32
    %ne3A_2 = vector.broadcast %ne3A : i32 to vector<512x256xi32>
    %ne3A_3 = arith.cmpi ne, %get3A_1, %ne3A_2 : vector<512x256xi32>
    %convert_element_type3A = arith.extui %ne3A_3 : vector<512x256xi1> to vector<512x256xi32>
    %convert_element_type3A_4 = arith.sitofp %convert_element_type3A : vector<512x256xi32> to vector<512x256xf32>
    %reduce_sum3A = arith.constant dense<0.000000e+00> : vector<512xf32>
    %reduce_sum3A_5 = vector.multi_reduction <add>, %convert_element_type3A_4, %reduce_sum3A [1] : vector<512x256xf32> to vector<512xf32>
    %broadcast_in_dim3A = vector.shape_cast %reduce_sum3A_5 : vector<512xf32> to vector<512x1xf32>
    %get3A_6 = arith.constant 0 : index
    %get3A_7 = arith.constant 0 : index
    %get3A_8 = vector.load %arg5[%get3A_6, %get3A_7] : memref<256x64xf32, #tpu.memory_space<vmem>>, vector<256x64xf32>
    %dot_general3A = arith.constant dense<0.000000e+00> : vector<512x64xf32>
    %dot_general3A_9 = tpu.matmul %convert_element_type3A_4, %get3A_8, %dot_general3A {dimension_numbers = #tpu.dot_dimension_numbers<[1], [0], [0], [1], [0, 0, 1, 1], [], []>, transpose_lhs_hint = false} : vector<512x256xf32>, vector<256x64xf32>, vector<512x64xf32> -> vector<512x64xf32>
    %max3A = arith.constant 1.000000e+00 : f32
    %max3A_10 = vector.broadcast %max3A : f32 to vector<512x1xf32>
    %max3A_11 = arith.maximumf %broadcast_in_dim3A, %max3A_10 : vector<512x1xf32>
    %get3A_12 = arith.constant 0 : index
    %get3A_13 = arith.constant 0 : index
    %get3A_14 = vector.load %arg2[%get3A_12, %get3A_13] : memref<512x64xf32, #tpu.memory_space<vmem>>, vector<512x64xf32>
    %add3A = arith.addf %get3A_14, %dot_general3A_9 : vector<512x64xf32>
    %div3A = vector.broadcast %max3A_11 : vector<512x1xf32> to vector<512x64xf32>
    %div3A_15 = arith.divf %add3A, %div3A : vector<512x64xf32>
    %get3A_16 = arith.constant 0 : index
    %get3A_17 = arith.constant 0 : index
    %get3A_18 = memref.load %arg4[%get3A_16, %get3A_17] : memref<1x3xf32, #tpu.memory_space<smem>>
    %get3A_19 = arith.constant 0 : index
    %get3A_20 = arith.constant 1 : index
    %get3A_21 = memref.load %arg4[%get3A_19, %get3A_20] : memref<1x3xf32, #tpu.memory_space<smem>>
    %get3A_22 = arith.constant 0 : index
    %get3A_23 = arith.constant 2 : index
    %get3A_24 = memref.load %arg4[%get3A_22, %get3A_23] : memref<1x3xf32, #tpu.memory_space<smem>>
    %get3A_25 = arith.constant 0 : index
    %get3A_26 = arith.constant 0 : index
    %get3A_27 = vector.load %arg3[%get3A_25, %get3A_26] : memref<512x1xi32, #tpu.memory_space<vmem>>, vector<512x1xi32>
    %convert_element_type3A_28 = arith.sitofp %get3A_27 : vector<512x1xi32> to vector<512x1xf32>
    %broadcast_in_dim3A_29 = arith.constant 1.000000e+00 : f32
    %broadcast_in_dim3A_30 = vector.broadcast %broadcast_in_dim3A_29 : f32 to vector<512x1xf32>
    %sub3A = vector.broadcast %get3A_24 : f32 to vector<512x1xf32>
    %sub3A_31 = arith.subf %convert_element_type3A_28, %sub3A : vector<512x1xf32>
    %sub3A_32 = arith.subf %get3A_21, %get3A_18 : f32
    %mul3A = vector.broadcast %sub3A_32 : f32 to vector<512x1xf32>
    %mul3A_33 = arith.mulf %mul3A, %broadcast_in_dim3A_30 : vector<512x1xf32>
    %max3A_34 = arith.constant 1.000000e+00 : f32
    %max3A_35 = arith.maximumf %get3A_21, %max3A_34 : f32
    %div3A_36 = arith.divf %get3A_18, %max3A_35 : f32
    %mul3A_37 = vector.broadcast %div3A_36 : f32 to vector<512x1xf32>
    %mul3A_38 = arith.mulf %mul3A_37, %broadcast_in_dim3A_30 : vector<512x1xf32>
    %max3A_39 = arith.constant 1.000000e+00 : f32
    %max3A_40 = vector.broadcast %max3A_39 : f32 to vector<512x1xf32>
    %max3A_41 = arith.maximumf %mul3A_33, %max3A_40 : vector<512x1xf32>
    %div3A_42 = arith.divf %sub3A_31, %max3A_41 : vector<512x1xf32>
    %max3A_43 = arith.constant 1.000000e+00 : f32
    %max3A_44 = arith.maximumf %get3A_24, %max3A_43 : f32
    %div3A_45 = vector.broadcast %max3A_44 : f32 to vector<512x1xf32>
    %div3A_46 = arith.divf %convert_element_type3A_28, %div3A_45 : vector<512x1xf32>
    %max3A_47 = arith.constant 1.000000e+00 : f32
    %max3A_48 = vector.broadcast %max3A_47 : f32 to vector<512x1xf32>
    %max3A_49 = arith.maximumf %convert_element_type3A_28, %max3A_48 : vector<512x1xf32>
    %div3A_50 = arith.divf %sub3A_31, %max3A_49 : vector<512x1xf32>
    %sub3A_51 = arith.subf %get3A_21, %get3A_18 : f32
    %max3A_52 = arith.constant 1.000000e+00 : f32
    %max3A_53 = arith.maximumf %get3A_21, %max3A_52 : f32
    %div3A_54 = arith.divf %sub3A_51, %max3A_53 : f32
    %mul3A_55 = vector.broadcast %div3A_54 : f32 to vector<512x1xf32>
    %mul3A_56 = arith.mulf %mul3A_55, %broadcast_in_dim3A_30 : vector<512x1xf32>
    %max3A_57 = arith.constant 1.000000e+00 : f32
    %max3A_58 = arith.maximumf %get3A_21, %max3A_57 : f32
    %div3A_59 = arith.divf %get3A_24, %max3A_58 : f32
    %mul3A_60 = vector.broadcast %div3A_59 : f32 to vector<512x1xf32>
    %mul3A_61 = arith.mulf %mul3A_60, %broadcast_in_dim3A_30 : vector<512x1xf32>
    %concatenate3A = tpu.concatenate %sub3A_31, %mul3A_33, %mul3A_38, %div3A_42, %div3A_46, %div3A_50, %mul3A_56, %mul3A_61 in 1 : vector<512x1xf32>, vector<512x1xf32>, vector<512x1xf32>, vector<512x1xf32>, vector<512x1xf32>, vector<512x1xf32>, vector<512x1xf32>, vector<512x1xf32> -> vector<512x8xf32>
    %broadcast_in_dim3A_62 = arith.constant 0.000000e+00 : f32
    %broadcast_in_dim3A_63 = vector.broadcast %broadcast_in_dim3A_62 : f32 to vector<512x56xf32>
    %concatenate3A_64 = tpu.concatenate %div3A_15, %concatenate3A, %broadcast_in_dim3A_63 in 1 : vector<512x64xf32>, vector<512x8xf32>, vector<512x56xf32> -> vector<512x128xf32>
    %reduce_sum3A_65 = arith.constant dense<0.000000e+00> : vector<512xf32>
    %reduce_sum3A_66 = vector.multi_reduction <add>, %concatenate3A_64, %reduce_sum3A_65 [1] : vector<512x128xf32> to vector<512xf32>
    %broadcast_in_dim3A_67 = vector.shape_cast %reduce_sum3A_66 : vector<512xf32> to vector<512x1xf32>
    %div3A_68 = arith.constant 7.200000e+01 : f32
    %div3A_69 = vector.broadcast %div3A_68 : f32 to vector<512x1xf32>
    %div3A_70 = arith.divf %broadcast_in_dim3A_67, %div3A_69 : vector<512x1xf32>
    %mul3A_71 = arith.mulf %concatenate3A_64, %concatenate3A_64 : vector<512x128xf32>
    %reduce_sum3A_72 = arith.constant dense<0.000000e+00> : vector<512xf32>
    %reduce_sum3A_73 = vector.multi_reduction <add>, %mul3A_71, %reduce_sum3A_72 [1] : vector<512x128xf32> to vector<512xf32>
    %broadcast_in_dim3A_74 = vector.shape_cast %reduce_sum3A_73 : vector<512xf32> to vector<512x1xf32>
    %div3A_75 = arith.constant 7.200000e+01 : f32
    %div3A_76 = vector.broadcast %div3A_75 : f32 to vector<512x1xf32>
    %div3A_77 = arith.divf %broadcast_in_dim3A_74, %div3A_76 : vector<512x1xf32>
    %mul3A_78 = arith.mulf %div3A_70, %div3A_70 : vector<512x1xf32>
    %sub3A_79 = arith.subf %div3A_77, %mul3A_78 : vector<512x1xf32>
    %sub3A_80 = vector.broadcast %div3A_70 : vector<512x1xf32> to vector<512x128xf32>
    %sub3A_81 = arith.subf %concatenate3A_64, %sub3A_80 : vector<512x128xf32>
    %add3A_82 = arith.constant 9.99999974E-6 : f32
    %add3A_83 = vector.broadcast %add3A_82 : f32 to vector<512x1xf32>
    %add3A_84 = arith.addf %sub3A_79, %add3A_83 : vector<512x1xf32>
    %rsqrt3A = math.rsqrt %add3A_84 : vector<512x1xf32>
    %mul3A_85 = vector.broadcast %rsqrt3A : vector<512x1xf32> to vector<512x128xf32>
    %mul3A_86 = arith.mulf %sub3A_81, %mul3A_85 : vector<512x128xf32>
    %get3A_87 = arith.constant 0 : index
    %get3A_88 = arith.constant 0 : index
    %get3A_89 = vector.load %arg6[%get3A_87, %get3A_88] : memref<1x128xf32, #tpu.memory_space<vmem>>, vector<1x128xf32>
    %mul3A_90 = vector.broadcast %get3A_89 : vector<1x128xf32> to vector<512x128xf32>
    %mul3A_91 = arith.mulf %mul3A_86, %mul3A_90 : vector<512x128xf32>
    %get3A_92 = arith.constant 0 : index
    %get3A_93 = arith.constant 0 : index
    %get3A_94 = vector.load %arg7[%get3A_92, %get3A_93] : memref<1x128xf32, #tpu.memory_space<vmem>>, vector<1x128xf32>
    %add3A_95 = vector.broadcast %get3A_94 : vector<1x128xf32> to vector<512x128xf32>
    %add3A_96 = arith.addf %mul3A_91, %add3A_95 : vector<512x128xf32>
    %get3A_97 = arith.constant 0 : index
    %get3A_98 = arith.constant 0 : index
    %get3A_99 = vector.load %arg8[%get3A_97, %get3A_98] : memref<128x256xf32, #tpu.memory_space<vmem>>, vector<128x256xf32>
    %dot_general3A_100 = arith.constant dense<0.000000e+00> : vector<512x256xf32>
    %dot_general3A_101 = tpu.matmul %add3A_96, %get3A_99, %dot_general3A_100 {dimension_numbers = #tpu.dot_dimension_numbers<[1], [0], [0], [1], [0, 0, 1, 1], [], []>, transpose_lhs_hint = false} : vector<512x128xf32>, vector<128x256xf32>, vector<512x256xf32> -> vector<512x256xf32>
    %get3A_102 = arith.constant 0 : index
    %get3A_103 = arith.constant 0 : index
    %get3A_104 = vector.load %arg9[%get3A_102, %get3A_103] : memref<1x256xf32, #tpu.memory_space<vmem>>, vector<1x256xf32>
    %add3A_105 = vector.broadcast %get3A_104 : vector<1x256xf32> to vector<512x256xf32>
    %add3A_106 = arith.addf %dot_general3A_101, %add3A_105 : vector<512x256xf32>
    %mul3A_107 = arith.constant 5.000000e-01 : f32
    %mul3A_108 = vector.broadcast %mul3A_107 : f32 to vector<512x256xf32>
    %mul3A_109 = arith.mulf %mul3A_108, %add3A_106 : vector<512x256xf32>
    %mul3A_110 = arith.constant 0.707106769 : f32
    %mul3A_111 = vector.broadcast %mul3A_110 : f32 to vector<512x256xf32>
    %mul3A_112 = arith.mulf %add3A_106, %mul3A_111 : vector<512x256xf32>
    %erf3A = math.erf %mul3A_112 : vector<512x256xf32>
    %add3A_113 = arith.constant 1.000000e+00 : f32
    %add3A_114 = vector.broadcast %add3A_113 : f32 to vector<512x256xf32>
    %add3A_115 = arith.addf %add3A_114, %erf3A : vector<512x256xf32>
    %mul3A_116 = arith.mulf %mul3A_109, %add3A_115 : vector<512x256xf32>
    %get3A_117 = arith.constant 0 : index
    %get3A_118 = arith.constant 0 : index
    %get3A_119 = vector.load %arg10[%get3A_117, %get3A_118] : memref<1x256xf32, #tpu.memory_space<vmem>>, vector<1x256xf32>
    %mul3A_120 = vector.broadcast %get3A_119 : vector<1x256xf32> to vector<512x256xf32>
    %mul3A_121 = arith.mulf %mul3A_116, %mul3A_120 : vector<512x256xf32>
    %reduce_sum3A_122 = arith.constant dense<0.000000e+00> : vector<512xf32>
    %reduce_sum3A_123 = vector.multi_reduction <add>, %mul3A_121, %reduce_sum3A_122 [1] : vector<512x256xf32> to vector<512xf32>
    %broadcast_in_dim3A_124 = vector.shape_cast %reduce_sum3A_123 : vector<512xf32> to vector<512x1xf32>
    %get3A_125 = arith.constant 0 : index
    %get3A_126 = arith.constant 0 : index
    %get3A_127 = vector.load %arg11[%get3A_125, %get3A_126] : memref<1x1xf32, #tpu.memory_space<vmem>>, vector<1x1xf32>
    %add3A_128 = vector.broadcast %get3A_127 : vector<1x1xf32> to vector<512x1xf32>
    %add3A_129 = arith.addf %broadcast_in_dim3A_124, %add3A_128 : vector<512x1xf32>
    %logistic3A = arith.negf %add3A_129 : vector<512x1xf32>
    %logistic3A_130 = math.exp %logistic3A : vector<512x1xf32>
    %logistic3A_131 = arith.constant 1.000000e+00 : f32
    %logistic3A_132 = vector.broadcast %logistic3A_131 : f32 to vector<512x1xf32>
    %logistic3A_133 = arith.addf %logistic3A_132, %logistic3A_130 : vector<512x1xf32>
    %logistic3A_134 = arith.divf %logistic3A_132, %logistic3A_133 : vector<512x1xf32>
    %swap3A = arith.constant 0 : index
    %swap3A_135 = arith.constant 0 : index
    %swap3A_136 = vector.load %arg12[%swap3A, %swap3A_135] : memref<512x1xf32, #tpu.memory_space<vmem>>, vector<512x1xf32>
    tpu.vector_store %arg12[%swap3A, %swap3A_135], %logistic3A_134 {strides = array<i32>} : memref<512x1xf32, #tpu.memory_space<vmem>>, vector<512x1xf32>,
    return
  }
  func.func @transform_0(%arg0: i32) -> (i32, i32) {
    %c0_i32 = arith.constant 0 : i32
    %c0_i32_0 = arith.constant 0 : i32
    return %arg0, %c0_i32 : i32, i32
  }
  func.func @transform_1(%arg0: i32) -> (i32, i32) {
    %c0_i32 = arith.constant 0 : i32
    %c0_i32_0 = arith.constant 0 : i32
    return %arg0, %c0_i32 : i32, i32
  }
  func.func @transform_2(%arg0: i32) -> (i32, i32) {
    %c0_i32 = arith.constant 0 : i32
    %c0_i32_0 = arith.constant 0 : i32
    return %arg0, %c0_i32 : i32, i32
  }
  func.func @transform_3(%arg0: i32) -> (i32, i32) {
    %c0_i32 = arith.constant 0 : i32
    %c0_i32_0 = arith.constant 0 : i32
    %c0_i32_1 = arith.constant 0 : i32
    return %c0_i32, %c0_i32_0 : i32, i32
  }
  func.func @transform_4(%arg0: i32) -> (i32, i32) {
    %c0_i32 = arith.constant 0 : i32
    %c0_i32_0 = arith.constant 0 : i32
    %c0_i32_1 = arith.constant 0 : i32
    return %c0_i32, %c0_i32_0 : i32, i32
  }
  func.func @transform_5(%arg0: i32) -> (i32, i32) {
    %c0_i32 = arith.constant 0 : i32
    %c0_i32_0 = arith.constant 0 : i32
    %c0_i32_1 = arith.constant 0 : i32
    return %c0_i32, %c0_i32_0 : i32, i32
  }
  func.func @transform_6(%arg0: i32) -> (i32, i32) {
    %c0_i32 = arith.constant 0 : i32
    %c0_i32_0 = arith.constant 0 : i32
    %c0_i32_1 = arith.constant 0 : i32
    return %c0_i32, %c0_i32_0 : i32, i32
  }
  func.func @transform_7(%arg0: i32) -> (i32, i32) {
    %c0_i32 = arith.constant 0 : i32
    %c0_i32_0 = arith.constant 0 : i32
    %c0_i32_1 = arith.constant 0 : i32
    return %c0_i32, %c0_i32_0 : i32, i32
  }
  func.func @transform_8(%arg0: i32) -> (i32, i32) {
    %c0_i32 = arith.constant 0 : i32
    %c0_i32_0 = arith.constant 0 : i32
    %c0_i32_1 = arith.constant 0 : i32
    return %c0_i32, %c0_i32_0 : i32, i32
  }
  func.func @transform_9(%arg0: i32) -> (i32, i32) {
    %c0_i32 = arith.constant 0 : i32
    %c0_i32_0 = arith.constant 0 : i32
    %c0_i32_1 = arith.constant 0 : i32
    return %c0_i32, %c0_i32_0 : i32, i32
  }
  func.func @transform_10(%arg0: i32) -> (i32, i32) {
    %c0_i32 = arith.constant 0 : i32
    %c0_i32_0 = arith.constant 0 : i32
    %c0_i32_1 = arith.constant 0 : i32
    return %c0_i32, %c0_i32_0 : i32, i32
  }
  func.func @transform_11(%arg0: i32) -> (i32, i32) {
    %c0_i32 = arith.constant 0 : i32
    %c0_i32_0 = arith.constant 0 : i32
    return %arg0, %c0_i32 : i32, i32
  }
}

</mosaic_0001>

<sc_bundles>
// kernel: kernel.4.cloned.1.call-start
scs
__scs_entry_jumppad:
0x0: {  	(pc) =	sbr.rel $0x88, $3  }
0x1: {  	(tag) =	ssettag $0x0;
	lr =	simm.s32 $0x1  }
0x2: {  	[smem:$0x3F94] =	sst lr;
	_ =	strace $0xD0000000  }
0x3: {  	_ = 	snop  }
0x4: {  	_ = 	snop  }
0x5: {  	_ = 	snop  }
0x6: {  	_ = 	snop  }
0x7: {  	_ = 	snop  }
__scs_overlays_trampoline_lowered:
0x8: {  	[smem:$0x3FA3] =	sst s0  }
0x9: {  	[smem:$0x3FA4] =	sst s1  }
0xa: {  	[smem:$0x3FA5] =	sst s2  }
0xb: {  	[smem:$0x3FA6] =	sst s3  }
0xc: {  	[smem:$0x3FA7] =	sst s4  }
0xd: {  	[smem:$0x3FA8] =	sst s5  }
0xe: {  	[smem:$0x3FA9] =	sst s6  }
0xf: {  	[smem:$0x3FAA] =	sst s7  }
0x10: {  	[smem:$0x3FAB] =	sst s8  }
0x11: {  	[smem:$0x3FAC] =	sst s9;
	s0 =	simm.s32 @!p0 $0x0  }
0x12: {  	s1 =	sld [smem:$0x3F92];
	s0 =	simm.s32 @p0 $0x1  }
0x13: {  	[smem:$0x3FAD] =	sst s0;
	s0 =	simm.s32 @!p1 $0x0  }
0x14: {  	s2 =	sld [smem:$0x3F91];
	s0 =	simm.s32 @p1 $0x1  }
0x15: {  	[smem:$0x3FAE] =	sst s0;
	s0 =	simm.s32 @!p2 $0x0  }
0x16: {  	s3 =	sld [smem:$0x3FDB];
	s0 =	simm.s32 @p2 $0x1  }
0x17: {  	s4 =	simm.s32 $0x1BF5;
	[smem:$0x3FB0] =	sst s0  }
0x18: {  	s0 =	sld [smem:$0x3F93];
	_ =	swait.ge [sflag:s4], $0x0  }
0x19: {  	s7 =	sld [smem:$0x3F94]  }
0x1a: {  	s8 =	sadd.s32 $0xFFFFE003, lr  }
0x1b: {  	s9 =	sadd.s32 $0xFFFFFEF7, lr;
	s5 =	simm.s32 $0xFFFFFFFF;
	p2 =	slt.u32 s8, $0xFFFFF086  }
0x1c: {  	p1 =	slt.u32 s9, $0xF7A;
	s5 =	simm.s32 @!p2 $0x0  }
0x1d: {  	s5 =	simm.s32 @p1 $0x1;
	p0 =	seq.s32 s7, s2  }
0x1e: {  	s7 =	smul.u32 @!p0 $0xF7A, s2;
	p2 =	seq.s32 @!p0 s5, $0x0  }
0x1f: {  	s9 =	smul.u32 $0xF7A, s1;
	s8 =	simm.s32 @!p0 $0x1BF5;
	p2 =	por !p2, p0  }
0x20: {  	[sflag:s8] =	ssyncset.s32 @!p0 $0xFFFFF086;
	s6 =	sadd.s32 @!p0 s3, s7;
	s7 =	simm.s32 @!p0 $0x108  }
0x21: {  	s3 =	sadd.s32 s3, s9;
	s6 =	sadd.s32 @!p0 $0x88, s6;
	s7 =	simm.s32 @p2 $0x1082  }
0x22: {  	[simem:s7], [sflag:s8] =	dma.local @!p0 [hbm:s6], $0xF7A  }
0x23: {  	s9 =	sor.u32 $0xD0000000, s2;
	s6 =	simm.s32 $0x108;
	_ =	swait.ge @!p0 [sflag:s8], $0x0  }
0x24: {  	s3 =	sadd.s32 $0x88, s3;
	s6 =	simm.s32 @!p1 $0x1082;
	[sflag:s4] =	ssyncset.s32 $0xFFFFF086  }
0x25: {  	[simem:s6], [sflag:s4] =	dma.local [hbm:s3], $0xF7A  }
0x26: {  	[smem:$0x3F94] =	sst s1;
	(tag) =	ssettag s2;
	_ =	strace s9  }
0x27: {  	s1 =	sld [smem:$0x3FA4]  }
0x28: {  	s2 =	sld [smem:$0x3FA5]  }
0x29: {  	s4 =	sld [smem:$0x3FA7]  }
0x2a: {  	p0 =	seq.s32 s5, $0x0;
	s5 =	sld [smem:$0x3FA8]  }
0x2b: {  	s6 =	sld [smem:$0x3FA9]  }
0x2c: {  	s7 =	sld [smem:$0x3FAA]  }
0x2d: {  	s3 =	simm.s32 $0x108;
	s8 =	sld [smem:$0x3FAB]  }
0x2e: {  	s3 =	simm.s32 @!p0 $0x1082;
	s9 =	sld [smem:$0x3FAC]  }
0x2f: {  	lr =	sadd.s32 s0, s3;
	s0 =	sld [smem:$0x3FA3]  }
0x30: {  	s3 =	sld [smem:$0x3FA6]  }
0x31: {  	[smem:$0x3FAF] =	sst s10  }
0x32: {  	s10 =	sld [smem:$0x3FAD];
	_ =	sdelay $0x3  }
0x33: {  	p0 =	seq.s32 s10, $0x1;
	s10 =	sld [smem:$0x3FAF];
	_ =	sdelay $0x3  }
0x34: {  	[smem:$0x3FAF] =	sst s10  }
0x35: {  	s10 =	sld [smem:$0x3FAE];
	_ =	sdelay $0x3  }
0x36: {  	p1 =	seq.s32 s10, $0x1;
	s10 =	sld [smem:$0x3FAF];
	_ =	sdelay $0x3  }
0x37: {  	[smem:$0x3FAF] =	sst s10  }
0x38: {  	s10 =	sld [smem:$0x3FB0]  }
0x39: {  	_ = 	snop;
	(pc) =	sbr.ind lr, $3  }
0x3a: {  	_ = 	snop  }
0x3b: {  	_ = 	snop  }
0x3c: {  	p2 =	seq.s32 s10, $0x1;
	s10 =	sld [smem:$0x3FAF]  }
0x3d: {  	_ =	shalt  }
0x3e: {  	_ =	shalt  }
0x3f: {  	_ =	shalt  }
0x40: {  	_ =	shalt  }
0x41: {  	_ =	shalt  }
0x42: {  	_ =	shalt  }
0x43: {  	_ =	shalt  }
0x44: {  	_ =	shalt  }
0x45: {  	_ =	shalt  }
0x46: {  	_ =	shalt  }
0x47: {  	_ =	shalt  }
0x48: {  	_ =	shalt  }
0x49: {  	_ =	shalt  }
0x4a: {  	_ =	shalt  }
0x4b: {  	_ =	shalt  }
0x4c: {  	_ =	shalt  }
0x4d: {  	_ =	shalt  }
0x4e: {  	_ =	shalt  }
0x4f: {  	_ =	shalt  }
0x50: {  	_ =	shalt  }
0x51: {  	_ =	shalt  }
0x52: {  	_ =	shalt  }
0x53: {  	_ =	shalt  }
0x54: {  	_ =	shalt  }
0x55: {  	_ =	shalt  }
0x56: {  	_ =	shalt  }
0x57: {  	_ =	shalt  }
0x58: {  	_ =	shalt  }
0x59: {  	_ =	shalt  }
0x5a: {  	_ =	shalt  }
0x5b: {  	_ =	shalt  }
0x5c: {  	_ =	shalt  }
0x5d: {  	_ =	shalt  }
0x5e: {  	_ =	shalt  }
0x5f: {  	_ =	shalt  }
0x60: {  	_ =	shalt  }
0x61: {  	_ =	shalt  }
0x62: {  	_ =	shalt  }
0x63: {  	_ =	shalt  }
0x64: {  	_ =	shalt  }
0x65: {  	_ =	shalt  }
0x66: {  	_ =	shalt  }
0x67: {  	_ =	shalt  }
0x68: {  	_ =	shalt  }
0x69: {  	_ =	shalt  }
0x6a: {  	_ =	shalt  }
0x6b: {  	_ =	shalt  }
0x6c: {  	_ =	shalt  }
0x6d: {  	_ =	shalt  }
0x6e: {  	_ =	shalt  }
0x6f: {  	_ =	shalt  }
0x70: {  	_ =	shalt  }
0x71: {  	_ =	shalt  }
0x72: {  	_ =	shalt  }
0x73: {  	_ =	shalt  }
0x74: {  	_ =	shalt  }
0x75: {  	_ =	shalt  }
0x76: {  	_ =	shalt  }
0x77: {  	_ =	shalt  }
0x78: {  	_ =	shalt  }
0x79: {  	_ =	shalt  }
0x7a: {  	_ =	shalt  }
0x7b: {  	_ =	shalt  }
0x7c: {  	_ =	shalt  }
0x7d: {  	_ =	shalt  }
0x7e: {  	_ =	shalt  }
0x7f: {  	_ =	shalt  }
0x80: {  	_ =	shalt  }
0x81: {  	_ =	shalt  }
0x82: {  	_ =	shalt  }
0x83: {  	_ =	shalt  }
0x84: {  	_ =	shalt  }
0x85: {  	_ =	shalt  }
0x86: {  	_ =	shalt  }
0x87: {  	_ =	shalt  }
.Lfunc_end0:
.L_simem_size_0:
called_computation_lowered:
.L_overlay_start_0:
0x88: {  	s2 =	sld [smem:$0x3FD9]  }
0x89: {  	s3 =	sld [smem:$0x3FFE];
	_ =	sdelay $0x1  }
0x8a: {  	s1 =	srdreg.scid  }
0x8b: {  	s0 =	sand.u32 $0x1, s1  }
0x8c: {  	s16 =	sshll.u32 s0, $0xA;
	s2 =	sadd.s32 s3, s2  }
0x8d: {  	s2 =	sadd.s32 s2, s16  }
0x8e: {  	[smem:$0x3FBB] =	sst s2  }
0x8f: {  	_ = 	snop  }
0x90: {  	(tm) =	ssettm $0x1  }
0x91: {  	s17 =	sld [smem:$0x3FFB];
	_ =	sdelay $0x3  }
0x92: {  	_ =	strace s17  }
0x93: {  	s2 =	sld [smem:$0x3FFC];
	_ =	sdelay $0x3  }
0x94: {  	_ =	strace s2  }
0x95: {  	s2 =	sld [smem:$0x3FFD];
	_ =	sdelay $0x3  }
0x96: {  	_ =	strace s2  }
0x97: {  	_ =	strace $0x8FFFFFFF  }
0x98: {  	s18 =	sld [smem:$0x3FDB];
	_ =	sdelay $0x1  }
0x99: {  	s19 =	simm.s32 $_scs_section_size  }
0x9a: {  	s4 =	simm.s32 $_size__tile_overlayer_lowered;
	s5 =	simm.s32 $_tile_overlayer_lowered  }
0x9b: {  	s22 =	simm.s32 $0x1BFF;
	s21 =	sshll.u32 s5, $0x1;
	s2 =	sadd.s32 s19, s18  }
0x9c: {  	s6 =	simm.s32 $0x0;
	s20 =	sshll.u32 s4, $0x1;
	s4 =	sadd.s32 s21, s2  }
0x9d: {  	[timem:s6], [sflag:s22] =	dma.local [hbm:s4], s20  }
0x9e: {  	_ =	swait.ge [sflag:s22], s20  }
0x9f: {  	s3 =	ssub.s32 $0x0, s20;
	[sflag:s22] =	ssyncset.done $0x0  }
0xa0: {  	[sflag:s22] =	ssyncadd.s32 s3;
	_ =	sdelay $0x1  }
0xa1: {  	s23 =	simm.s32 $0x1B8B  }
0xa2: {  	_ =	swait.ge [sflag:s23], $0x1  }
0xa3: {  	[sflag:s23] =	ssyncset.done $0x0  }
0xa4: {  	s25 =	simm.s32 $0x1B8E;
	s24 =	sld [smem:$0x3FFE];
	[sflag:s23] =	ssyncadd.s32 $0xFFFFFFFF  }
0xa5: {  	s26 =	simm.s32 $execute0_lowered;
	[smem:$0x3FD2] =	sst s25  }
0xa6: {  	s4 =	sshll.u32 s26, $0x1;
	_ =	strace $0x80000046;
	[dreg:$0x1] =	wrdreg $0xFFFFFFFF  }
0xa7: {  	s28 =	simm.s32 $_size_execute0_lowered;
	s2 =	sadd.s32 s2, s4;
	[dreg:$0x0] =	wrdreg $0x0  }
0xa8: {  	s4 =	sshll.u32 s28, $0x1;
	[dreg:$0x2] =	wrdreg s2  }
0xa9: {  	[dreg:$0x3] =	wrdreg s4  }
0xaa: {  	[dreg:$0x4] =	wrdreg $0xC0  }
0xab: {  	_ =	task [dreg:s6], $0x5FFFF  }
0xac: {  	[dreg:$0x1] =	wrdreg $0xFFFFFFFF  }
0xad: {  	[dreg:$0x0] =	wrdreg $0x60  }
0xae: {  	[dreg:$0x2] =	wrdreg s24  }
0xaf: {  	[dreg:$0x3] =	wrdreg $0x9  }
0xb0: {  	_ =	task.clear_ibuf [dreg:s6], $0x4FFFF;
	_ =	strace $0x90000046  }
0xb1: {  	s29 =	simm.s32 $0x9;
	_ =	strace $0x80000048  }
0xb2: {  	_ =	swait.ge [sflag:s29], $0x1  }
0xb3: {  	[sflag:s29] =	ssyncadd.s32 $0xFFFFFFFF  }
0xb4: {  	_ =	strace $0x90000048  }
0xb5: {  	_ =	sfence  }
0xb6: {  	s30 =	sld [smem:$0x0];
	_ =	sdelay $0x2  }
0xb7: {  	s31 =	sshll.u32 s1, $0xD;
	s1 =	sshrl.u32 s1, $0x2  }
0xb8: {  	s3 =	sand.u32 $0x4000, s31;
	s1 =	sadd.s32 s1, s30  }
0xb9: {  	s0 =	sor.u32 s3, s0;
	s1 =	sshll.u32 s1, $0x11  }
0xba: {  	s0 =	sor.u32 s1, s0  }
0xbb: {  	s0 =	sadd.s32 $0x8F2B, s0  }
0xbc: {  	[sflag:s0] =	ssyncadd.remote.s32 $0x1  }
0xbd: {  	_ =	sfence.sel $0xFFFF  }
0xbe: {  	[dreg:$0x0] =	wrdreg $0xFFFFFFFF;
	(pc) =	sbr.abs _section_cstart, $3  }
0xbf: {  	[dreg:$0x1] =	wrdreg $0xFFFFFFFF  }
0xc0: {  	_ =	task.clear_ibuf [dreg:s6], $0x2FFFF;
	_ =	strace $0x9FFFFFFF  }
0xc1: {  	(tm) =	ssettm $0x7FFFFFFF  }
tec
execute0_lowered:
.L_overlay_start_1:
0x0: {  	(tag) =	ssettag $0x1  }
0x1: {  	s5 =	rddreg [dreg:$0x0]  }
0x2: {  	s0 =	rddreg [dreg:$0x1]  }
0x3: {  	s1 =	simm.s32 $0x0;
	s2 =	srdreg.scid;
	s10 =	simm.s32 $0x190  }
0x4: {  	s11 =	simm.s32 $0x48;
	s12 =	simm.s32 $0x2190;
	s13 =	simm.s32 $0xC8  }
0x5: {  	s14 =	simm.s32 $0x3390;
	s15 =	simm.s32 $0x148;
	s16 =	simm.s32 $0x5390  }
0x6: {  	s17 =	simm.s32 $0x1;
	s18 =	simm.s32 $0x6590;
	s19 =	simm.s32 $0x2  }
0x7: {  	s20 =	simm.s32 $0x65D0;
	s21 =	simm.s32 $0x0;
	[smem:$0x7FF] =	sst s1  }
0x8: {  	s3 =	sadd.s32 $0x21800, s5;
	s6 =	sand.u32 $0x1, s2;
	s4 =	sadd.s32 $0xF7CC00, s5  }
0x9: {  	s2 =	stileid.u32;
	s5 =	sadd.s32 $0x3A800, s5;
	s7 =	ssub.s32 $0x2, s6  }
0xa: {  	s9 =	sshll.u32 s2, $0x8;
	s6 =	sshll.u32 s6, $0x7;
	s8 =	sshrl.u32 s7, $0x1  }
0xb: {  	_ =	strace $0x80000047;
	s6 =	sor.u32 s6, s9;
	s7 =	ssub.s32 s7, s8  }
0xc: {  	s9 =	simm.s32 $0x80;
	s8 =	simm.s32 $0x3;
	s7 =	smax.u32 s7, $0x1  }
.LBB2_1:
0xd: {  	s22 =	simm.s32 $0x0  }
.LBB2_2:
0xe: {  	s23 =	sshll.u32 s22, $0x1  }
0xf: {  	s24 =	sadd.s32 s6, s23  }
0x10: {  	s23 =	smul.u32 $0x19, s24;
	_ =	sdelay $0x1  }
0x11: {  	s23 =	sadd.s32 s3, s23  }
0x12: {  	[tilespmem:s1], [sflag:$0x3] =	stream.linear.gather [hbm4b:s23+s1], $0xC8, $0x38;
	[tilespmem:$0x6610] =	vst v63  }
0x13: {  	_ =	swait.ge [sflag:s8], $0xC8  }
0x14: {  	[sflag:s8] =	ssyncset.done $0x0  }
0x15: {  	s23 =	sor.u32 $0x1, s24;
	[sflag:s8] =	ssyncadd.s32 $0xFFFFFF38  }
0x16: {  	[tilespmem:s10], [sflag:$0x1] =	stream.indirect.gather [hbm4b:s4+s9], $0x40, s1, s9, $0xb8;
	[tilespmem:$0x6610] =	vst v63  }
0x17: {  	s25 =	smul.u32 $0x19, s23  }
0x18: {  	[tilespmem:s12], [sflag:$0x1] =	stream.indirect.gather [hbm4b:s4+s11], $0x40, s9, s11, $0xb8;
	[tilespmem:$0x6610] =	vst v63  }
0x19: {  	s25 =	sadd.s32 s3, s25  }
0x1a: {  	[tilespmem:s13], [sflag:$0x3] =	stream.linear.gather [hbm4b:s25+s1], $0xC8, $0x38;
	[tilespmem:$0x6610] =	vst v63  }
0x1b: {  	_ =	swait.ge [sflag:s8], $0xC8  }
0x1c: {  	[sflag:s8] =	ssyncset.done $0x0  }
0x1d: {  	[sflag:s8] =	ssyncadd.s32 $0xFFFFFF38  }
0x1e: {  	[tilespmem:s14], [sflag:$0x2] =	stream.indirect.gather [hbm4b:s4+s9], $0x40, s13, s9, $0xb8;
	[tilespmem:$0x6610] =	vst v63  }
0x1f: {  	_ = 	snop  }
0x20: {  	[tilespmem:s16], [sflag:$0x2] =	stream.indirect.gather [hbm4b:s4+s11], $0x40, s15, s11, $0xb8;
	[tilespmem:$0x6610] =	vst v63  }
0x21: {  	_ =	swait.ge [sflag:s17], $0x2000  }
0x22: {  	[sflag:s17] =	ssyncset.done $0x0  }
0x23: {  	[sflag:s17] =	ssyncadd.s32 $0xFFFFE000  }
0x24: {  	_ =	swait.ge [sflag:s17], $0x1200  }
0x25: {  	[sflag:s17] =	ssyncset.done $0x0  }
0x26: {  	s26 =	simm.s32 $0x210;
	[sflag:s17] =	ssyncadd.s32 $0xFFFFEE00  }
0x27: {  	v0 =	vld [tilespmem:s26+$0x40]  }
0x28: {  	v1 =	vld [tilespmem:s26+$0x50]  }
0x29: {  	v2 =	vld [tilespmem:s26+$0x0]  }
0x2a: {  	v3 =	vld [tilespmem:s26+$0x10]  }
0x2b: {  	v9 =	vld [tilespmem:s26+$0xFFFFFFC0]  }
0x2c: {  	v12 =	vld [tilespmem:s26+$0xFFFFFFD0]  }
0x2d: {  	v5 =	vld [tilespmem:s26+$0xFFFFFF80]  }
0x2e: {  	v7 =	vld [tilespmem:s26+$0xFFFFFF90]  }
0x2f: {  	v10 =	vld [tilespmem:s26+$0xFFFFFFA0]  }
0x30: {  	v13 =	vld [tilespmem:s26+$0xFFFFFFB0]  }
0x31: {  	v6 =	vld [tilespmem:s26+$0xFFFFFFE0]  }
0x32: {  	v8 =	vld [tilespmem:s26+$0xFFFFFFF0]  }
0x33: {  	v14 =	vimm.f32 $0.0e+00;
	v4 =	vld [tilespmem:s26+$0x20]  }
0x34: {  	v15 =	vadd.f32 v5, v14;
	v16 =	vadd.f32 v7, v14;
	v7 =	vld [tilespmem:s26+$0x30]  }
0x35: {  	v11 =	vadd.f32 v10, v14;
	v10 =	vadd.f32 v13, v14;
	v5 =	vld [tilespmem:s26+$0x60]  }
0x36: {  	s25 =	simm.s32 $0x0;
	v13 =	vadd.f32 v9, v15;
	v12 =	vadd.f32 v12, v16;
	v9 =	vld [tilespmem:s26+$0x70];
	s26 =	simm.s32 $0x310  }
.LBB2_3:
0x37: {  	v14 =	vld [tilespmem:s26+$0x40];
	v6 =	vadd.f32 v6, v11;
	v8 =	vadd.f32 v8, v10  }
0x38: {  	v10 =	vld [tilespmem:s26+$0x50];
	v11 =	vadd.f32 v2, v13;
	v12 =	vadd.f32 v3, v12  }
0x39: {  	v2 =	vld [tilespmem:s26+$0x0];
	v4 =	vadd.f32 v4, v6;
	v6 =	vadd.f32 v7, v8  }
0x3a: {  	v3 =	vld [tilespmem:s26+$0x10];
	v7 =	vadd.f32 v0, v11;
	v11 =	vadd.f32 v1, v12  }
0x3b: {  	v12 =	vld [tilespmem:s26+$0xFFFFFFC0];
	v5 =	vadd.f32 v5, v4;
	v9 =	vadd.f32 v9, v6  }
0x3c: {  	v15 =	vld [tilespmem:s26+$0xFFFFFFD0];
	v0 =	vmov v14  }
0x3d: {  	v13 =	vld [tilespmem:s26+$0xFFFFFF80];
	v1 =	vmov v10  }
0x3e: {  	v10 =	vld [tilespmem:s26+$0xFFFFFF90]  }
0x3f: {  	v14 =	vld [tilespmem:s26+$0xFFFFFFA0]  }
0x40: {  	s25 =	sadd.s32 $0x4, s25;
	v16 =	vld [tilespmem:s26+$0xFFFFFFB0]  }
0x41: {  	p0 =	slt.u32 s25, $0xC4;
	v6 =	vld [tilespmem:s26+$0xFFFFFFE0]  }
.Ltmp0:
0x42: {  	v8 =	vld [tilespmem:s26+$0xFFFFFFF0];
	(pc) =	sbr.rel @p0 .LBB2_3-.Ltmp0, $4  }
0x43: {  	v4 =	vld [tilespmem:s26+$0x20]  }
0x44: {  	v13 =	vadd.f32 v13, v7;
	v17 =	vadd.f32 v10, v11;
	v7 =	vld [tilespmem:s26+$0x30]  }
0x45: {  	v11 =	vadd.f32 v14, v5;
	v10 =	vadd.f32 v16, v9;
	v5 =	vld [tilespmem:s26+$0x60]  }
0x46: {  	v13 =	vadd.f32 v12, v13;
	v12 =	vadd.f32 v15, v17;
	v9 =	vld [tilespmem:s26+$0x70];
	s26 =	sadd.s32 $0x100, s26  }
0x47: {  	_ = 	snop  }
0x48: {  	v6 =	vadd.f32 v6, v11;
	v2 =	vadd.f32 v2, v13  }
0x49: {  	v8 =	vadd.f32 v8, v10;
	v3 =	vadd.f32 v3, v12  }
0x4a: {  	v4 =	vadd.f32 v4, v6;
	v0 =	vadd.f32 v0, v2  }
0x4b: {  	v2 =	vadd.f32 v7, v8;
	v1 =	vadd.f32 v1, v3  }
0x4c: {  	v3 =	vadd.f32 v5, v4;
	[tilespmem:$0x6590] =	vst v0  }
0x4d: {  	v0 =	vadd.f32 v9, v2;
	[tilespmem:$0x65A0] =	vst v1  }
0x4e: {  	s24 =	sshll.u32 s24, $0x3;
	[tilespmem:$0x65B0] =	vst v3  }
0x4f: {  	s24 =	sadd.s32 s5, s24;
	[tilespmem:$0x65C0] =	vst v0  }
0x50: {  	[hbm4b:s24+s1] =	stream.linear.scatter [tilespmem:s18], [sflag:$0x3], $0x40, $0x38;
	[tilespmem:$0x6610] =	vst v63  }
0x51: {  	_ =	swait.ge [sflag:s8], $0x40  }
0x52: {  	[sflag:s8] =	ssyncset.done $0x0  }
0x53: {  	[sflag:s8] =	ssyncadd.s32 $0xFFFFFFC0  }
0x54: {  	_ =	swait.ge [sflag:s19], $0x2000  }
0x55: {  	[sflag:s19] =	ssyncset.done $0x0  }
0x56: {  	[sflag:s19] =	ssyncadd.s32 $0xFFFFE000  }
0x57: {  	_ =	swait.ge [sflag:s19], $0x1200  }
0x58: {  	[sflag:s19] =	ssyncset.done $0x0  }
0x59: {  	s25 =	simm.s32 $0x3480;
	[sflag:s19] =	ssyncadd.s32 $0xFFFFEE00  }
0x5a: {  	v0 =	vld [tilespmem:s25+$0xFFFFFFD0]  }
0x5b: {  	v1 =	vld [tilespmem:s25+$0xFFFFFFE0]  }
0x5c: {  	v2 =	vld [tilespmem:s25+$0xFFFFFF90]  }
0x5d: {  	v3 =	vld [tilespmem:s25+$0xFFFFFFA0]  }
0x5e: {  	v9 =	vld [tilespmem:s25+$0xFFFFFF50]  }
0x5f: {  	v12 =	vld [tilespmem:s25+$0xFFFFFF60]  }
0x60: {  	v5 =	vld [tilespmem:s25+$0xFFFFFF10]  }
0x61: {  	v7 =	vld [tilespmem:s25+$0xFFFFFF20]  }
0x62: {  	v10 =	vld [tilespmem:s25+$0xFFFFFF30]  }
0x63: {  	v13 =	vld [tilespmem:s25+$0xFFFFFF40]  }
0x64: {  	v6 =	vld [tilespmem:s25+$0xFFFFFF70]  }
0x65: {  	v8 =	vld [tilespmem:s25+$0xFFFFFF80]  }
0x66: {  	v14 =	vimm.f32 $0.0e+00;
	v4 =	vld [tilespmem:s25+$0xFFFFFFB0]  }
0x67: {  	v15 =	vadd.f32 v5, v14;
	v16 =	vadd.f32 v7, v14;
	v7 =	vld [tilespmem:s25+$0xFFFFFFC0]  }
0x68: {  	v11 =	vadd.f32 v10, v14;
	v10 =	vadd.f32 v13, v14;
	v5 =	vld [tilespmem:s25+$0xFFFFFFF0]  }
0x69: {  	s24 =	simm.s32 $0x0;
	v13 =	vadd.f32 v9, v15;
	v12 =	vadd.f32 v12, v16;
	v9 =	vld [tilespmem:s25+$0x0];
	s25 =	simm.s32 $0x3580  }
.LBB2_5:
0x6a: {  	v14 =	vld [tilespmem:s25+$0xFFFFFFD0];
	v6 =	vadd.f32 v6, v11;
	v8 =	vadd.f32 v8, v10  }
0x6b: {  	v10 =	vld [tilespmem:s25+$0xFFFFFFE0];
	v11 =	vadd.f32 v2, v13;
	v12 =	vadd.f32 v3, v12  }
0x6c: {  	v2 =	vld [tilespmem:s25+$0xFFFFFF90];
	v4 =	vadd.f32 v4, v6;
	v6 =	vadd.f32 v7, v8  }
0x6d: {  	v3 =	vld [tilespmem:s25+$0xFFFFFFA0];
	v7 =	vadd.f32 v0, v11;
	v11 =	vadd.f32 v1, v12  }
0x6e: {  	v12 =	vld [tilespmem:s25+$0xFFFFFF50];
	v5 =	vadd.f32 v5, v4;
	v9 =	vadd.f32 v9, v6  }
0x6f: {  	v15 =	vld [tilespmem:s25+$0xFFFFFF60];
	v0 =	vmov v14  }
0x70: {  	v13 =	vld [tilespmem:s25+$0xFFFFFF10];
	v1 =	vmov v10  }
0x71: {  	v10 =	vld [tilespmem:s25+$0xFFFFFF20]  }
0x72: {  	v14 =	vld [tilespmem:s25+$0xFFFFFF30]  }
0x73: {  	s24 =	sadd.s32 $0x4, s24;
	v16 =	vld [tilespmem:s25+$0xFFFFFF40]  }
0x74: {  	p0 =	slt.u32 s24, $0xC4;
	v6 =	vld [tilespmem:s25+$0xFFFFFF70]  }
.Ltmp1:
0x75: {  	v8 =	vld [tilespmem:s25+$0xFFFFFF80];
	(pc) =	sbr.rel @p0 .LBB2_5-.Ltmp1, $4  }
0x76: {  	v4 =	vld [tilespmem:s25+$0xFFFFFFB0]  }
0x77: {  	v13 =	vadd.f32 v13, v7;
	v17 =	vadd.f32 v10, v11;
	v7 =	vld [tilespmem:s25+$0xFFFFFFC0]  }
0x78: {  	v11 =	vadd.f32 v14, v5;
	v10 =	vadd.f32 v16, v9;
	v5 =	vld [tilespmem:s25+$0xFFFFFFF0]  }
0x79: {  	v13 =	vadd.f32 v12, v13;
	v12 =	vadd.f32 v15, v17;
	v9 =	vld [tilespmem:s25+$0x0];
	s25 =	sadd.s32 $0x100, s25  }
0x7a: {  	_ = 	snop  }
0x7b: {  	v6 =	vadd.f32 v6, v11;
	v2 =	vadd.f32 v2, v13  }
0x7c: {  	v8 =	vadd.f32 v8, v10;
	v3 =	vadd.f32 v3, v12  }
0x7d: {  	v4 =	vadd.f32 v4, v6;
	v0 =	vadd.f32 v0, v2  }
0x7e: {  	v61 =	vadd.f32 v7, v8;
	v1 =	vadd.f32 v1, v3  }
0x7f: {  	v62 =	vadd.f32 v5, v4;
	[tilespmem:$0x65D0] =	vst v0  }
0x80: {  	s23 =	sshll.u32 s23, $0x3;
	s22 =	sadd.s32 $0x1, s22;
	v63 =	vadd.f32 v9, v61;
	[tilespmem:$0x65E0] =	vst v1  }
0x81: {  	s23 =	sand.u32 $0x1FFFFFF8, s23;
	p0 =	sne.s32 s22, $0x40;
	[tilespmem:$0x65F0] =	vst v62  }
.Ltmp2:
0x82: {  	s23 =	sadd.s32 s5, s23;
	[tilespmem:$0x6600] =	vst v63;
	(pc) =	sbr.rel @p0 .LBB2_2-.Ltmp2, $4  }
0x83: {  	[hbm4b:s23+s1] =	stream.linear.scatter [tilespmem:s20], [sflag:$0x3], $0x40, $0x38;
	[tilespmem:$0x6610] =	vst v63  }
0x84: {  	_ =	swait.ge [sflag:s8], $0x40  }
0x85: {  	[sflag:s8] =	ssyncset.done $0x0  }
0x86: {  	[sflag:s8] =	ssyncadd.s32 $0xFFFFFFC0  }
0x87: {  	s21 =	sadd.s32 $0x1, s21  }
0x88: {  	p0 =	sne.s32 s21, s7  }
.Ltmp3:
0x89: {  	_ = 	snop;
	(pc) =	sbr.rel @p0 .LBB2_1-.Ltmp3, $1  }
0x8a: {  	_ =	sdelay $0x3  }
0x8b: {  	_ =	sfence.sel $0x180000  }
0x8c: {  	[bflag:$0x0] =	sbarrier.arrive $0xFFFF  }
0x8d: {  	p0 =	sne.s32 s2, $0x0;
	_ =	strace $0x90000047  }
0x8e: {  	s0 =	sadd.s32 @!p0 $0x100000, s0;
	[bflag:$0x2] =	sbarrier.arrive $0xFFFF  }
0x8f: {  	[sflag:s0] =	ssyncadd.tile.s32 @!p0 $0x1;
	_ =	shalt  }
.Lfunc_end2:
_tile_overlayer_lowered:
.L_overlay_start_2:
0x90: {  	(tag) =	ssettag $0x2  }
0x91: {  	s0 =	rddreg [dreg:$0x0];
	s2 =	stileid.u32  }
0x92: {  	s1 =	rddreg [dreg:$0x1];
	p0 =	sne.s32 s2, $0x0  }
0x93: {  	s3 =	rddreg [dreg:$0x2];
	[bflag:$0x3] =	sbarrier.arrive $0xFFFF;
	s2 =	simm.s32 @!p0 $0x1C03  }
0x94: {  	[timem:s3], [sflag:s2] =	dma.local @!p0 [hbm:s0], s1  }
0x95: {  	s0 =	simm.s32 @!p0 $0x3  }
0x96: {  	_ =	swait.ge @!p0 [sflag:s0], s1  }
0x97: {  	s1 =	ssub.s32 @!p0 $0x0, s1;
	[sflag:s0] =	ssyncset.done @!p0 $0x0  }
0x98: {  	[sflag:s0] =	ssyncadd.s32 @!p0 s1  }
0x99: {  	[bflag:$0x3] =	sbarrier.arrive $0xFFFF  }
0x9a: {  	_ =	shalt  }

</sc_bundles>
